<compile_context>
chip_gen: v7x
topology: tpu7x:2x2x1
jax: 0.10.2.dev20260603
libtpu: 0.0.44.dev20260713+nightly
codegen_flags: <defaults>
</compile_context>

<pallas_src>
import functools

import jax
import jax.numpy as jnp
from jax import lax
from jax.experimental import pallas as pl
from jax.experimental.pallas import tpu as pltpu
from jax.experimental.pallas import tpu_sc as plsc

RES = 100000
N = 8388608
V0 = 0.0
VR = 1.0
START_VALUE = 0.5
UPDATE_WEIGHT = 1.0 / 37500000.0
CW = float((1.0 - UPDATE_WEIGHT) ** float(N))

NC = 2
NS = 16
NW = NC * NS
NPW = N // NW
CH = 8192
NBUF = 2
NCHUNK = NPW // CH
CROWS = CH // 128
HP = 100096
ZS = HP // NS

P2R = HP // 128
P2C = 128


def _sc_hist_body(stat_hbm, dyn_hbm, score_hbm, out_hbm, hist_sh,
                  stat_v, dyn_v, score_v, vals_v, idx_v, zbuf,
                  in_sems, sc_sems):
    c = lax.axis_index("c")
    s = lax.axis_index("s")
    wid = s * NC + c

    @pl.loop(0, ZS // 16)
    def _zero(i):
        zbuf[pl.ds(i * 16, 16)] = jnp.zeros((16,), jnp.float32)

    pltpu.sync_copy(zbuf, hist_sh.at[pl.ds(s * ZS, ZS)])
    plsc.subcore_barrier()

    base = wid * NPW
    inputs = (stat_hbm, dyn_hbm, score_hbm)

    def start_inputs(b, k):
        off = base + k * CH
        for src, dst in zip(inputs, (stat_v[b], dyn_v[b], score_v[b])):
            pltpu.async_copy(src.at[pl.ds(off, CH)], dst, in_sems[b])

    def wait_inputs(b, k):
        off = base + k * CH
        for src, dst in zip(inputs, (stat_v[b], dyn_v[b], score_v[b])):
            pltpu.make_async_copy(src.at[pl.ds(off, CH)], dst, in_sems[b]).wait()

    def wait_scatter(b):
        pltpu.make_async_copy(
            vals_v[b], hist_sh.at[idx_v[b]], sc_sems[b]).wait()

    for b in range(NBUF):
        start_inputs(b, b)

    @pl.loop(0, NCHUNK // NBUF)
    def _round(o):
        for b in range(NBUF):
            k = o * NBUF + b
            wait_inputs(b, k)

            @pl.when(k >= NBUF)
            def _():
                wait_scatter(b)

            @pl.loop(0, CH // 16, unroll=8)
            def _vec(i):
                st = stat_v[b][pl.ds(i * 16, 16)]
                dy = dyn_v[b][pl.ds(i * 16, 16)]
                sc = score_v[b][pl.ds(i * 16, 16)]
                vals = st - dy
                idxi = (sc * float(RES)).astype(jnp.int32)
                idxi = jnp.minimum(idxi, RES - 1)
                vals_v[b][pl.ds(i * 16, 16)] = vals
                idx_v[b][pl.ds(i * 16, 16)] = idxi

            pltpu.async_copy(vals_v[b], hist_sh.at[idx_v[b]], sc_sems[b],
                             add=True)

            @pl.when(k + NBUF < NCHUNK)
            def _():
                start_inputs(b, k + NBUF)

    for b in range(NBUF):
        wait_scatter(b)
    plsc.subcore_barrier()

    pltpu.sync_copy(hist_sh.at[pl.ds(s * ZS, ZS)], zbuf)
    pltpu.sync_copy(zbuf, out_hbm.at[pl.ds(c * HP + s * ZS, ZS)])


@functools.cache
def _sc_hist():
    return pl.kernel(
        _sc_hist_body,
        out_type=jax.ShapeDtypeStruct((NC * HP,), jnp.float32),
        mesh=plsc.VectorSubcoreMesh(core_axis_name="c", subcore_axis_name="s",
                                    num_cores=NC, num_subcores=NS),
        scratch_types=[
            pltpu.VMEM_SHARED((HP,), jnp.float32),
            [pltpu.VMEM((CH,), jnp.float32) for _ in range(NBUF)],
            [pltpu.VMEM((CH,), jnp.float32) for _ in range(NBUF)],
            [pltpu.VMEM((CH,), jnp.float32) for _ in range(NBUF)],
            [pltpu.VMEM((CH,), jnp.float32) for _ in range(NBUF)],
            [pltpu.VMEM((CH,), jnp.int32) for _ in range(NBUF)],
            pltpu.VMEM((ZS,), jnp.float32),
            [pltpu.SemaphoreType.DMA for _ in range(NBUF)],
            [pltpu.SemaphoreType.DMA for _ in range(NBUF)],
        ],
    )


def _shift_right_cols(x, s):
    return jnp.concatenate(
        [jnp.zeros((x.shape[0], s), jnp.float32), x[:, : x.shape[1] - s]], axis=1)


def _shift_down_rows(x, s):
    return jnp.concatenate(
        [jnp.zeros((s, x.shape[1]), jnp.float32), x[: x.shape[0] - s, :]], axis=0)


def _tc_thresh_body(parts_ref, mov_ref, bias_ref, out_ref):
    h = parts_ref[0] + parts_ref[1]
    imp = mov_ref[...] * CW + (1.0 - CW) * h

    x = imp
    for sft in (1, 2, 4, 8, 16, 32, 64):
        x = x + _shift_right_cols(x, sft)
    rowtot = x[:, P2C - 1:P2C]

    t = _shift_down_rows(rowtot, 1)
    for sft in (1, 2, 4, 8, 16, 32, 64, 128, 256, 512):
        t = t + _shift_down_rows(t, sft)

    prefix = x + t

    flat = (lax.broadcasted_iota(jnp.int32, (P2R, P2C), 0) * P2C
            + lax.broadcasted_iota(jnp.int32, (P2R, P2C), 1))
    valid = flat < RES
    pv = jnp.where(valid, prefix, jnp.inf)
    best = jnp.minimum(jnp.min(pv), 0.0)

    maskv = valid & (prefix == best)
    cnt = (jnp.sum(maskv.astype(jnp.float32))
           + jnp.where(best == 0.0, 1.0, 0.0))
    sidx = jnp.sum(jnp.where(maskv, (flat + 1).astype(jnp.float32), 0.0))
    avg = sidx / cnt
    thr = avg * VR / float(RES) + V0

    new_bias = bias_ref[0, 0] * CW + (1.0 - CW)
    out_ref[0, 0] = jnp.where(new_bias > 0.0, thr, jnp.float32(START_VALUE))


def kernel(epes_stat_flow, epes_dyn_flow, dynamicness_scores,
           moving_average_importance, bias_counter):
    parts = _sc_hist()(epes_stat_flow, epes_dyn_flow, dynamicness_scores)

    parts_p = parts.reshape(NC, P2R, P2C)
    mov_p = jnp.pad(moving_average_importance, (0, HP - RES))
    mov_p = mov_p.reshape(P2R, P2C)
    bias = jnp.reshape(bias_counter, (1, 1))

    out = pl.pallas_call(
        _tc_thresh_body,
        out_shape=jax.ShapeDtypeStruct((1, 1), jnp.float32),
        in_specs=[
            pl.BlockSpec(memory_space=pltpu.VMEM),
            pl.BlockSpec(memory_space=pltpu.VMEM),
            pl.BlockSpec(memory_space=pltpu.SMEM),
        ],
        out_specs=pl.BlockSpec(memory_space=pltpu.SMEM),
    )(parts_p, mov_p, bias)
    return out[0, 0]

# --- scband reference (transcript-rebuilt; emitter-appended) ---
"""Pipeline reference for scband-moving-average-threshold-9294309228811 (READ-ONLY COPY).

The authoritative reference and input builder live on the scoring server;
editing this copy changes nothing except your own understanding.
"""

import jax, jax.numpy as jnp
import numpy as np

RESOLUTION = 100000
NUM_MOVING = 150000000
NUM_TRAIN_SAMPLES = 20000
START_VALUE = 0.5
V0 = 0.0
VR = 1.0  # value_range[1] - value_range[0]
TOTAL = NUM_MOVING  # unsupervised: num_still is None
AVG_POINTS_PER_SAMPLE = TOTAL / NUM_TRAIN_SAMPLES
UPDATE_WEIGHT = 1.0 / min(2.0 * TOTAL, 5000.0 * AVG_POINTS_PER_SAMPLE)
N = 8388608


def setup_inputs(seed: int = 0) -> dict:
    key = jax.random.key(seed)
    k1, k2, k3 = jax.random.split(key, 3)
    epes_stat_flow = jax.random.uniform(k1, (N,), dtype=jnp.float32)
    epes_dyn_flow = jax.random.uniform(k2, (N,), dtype=jnp.float32)
    dynamicness_scores = jax.random.uniform(k3, (N,), dtype=jnp.float32)
    moving_average_importance = jnp.zeros((RESOLUTION,), dtype=jnp.float32)
    bias_counter = jnp.zeros((), dtype=jnp.float32)
    return {
        "epes_stat_flow": epes_stat_flow,
        "epes_dyn_flow": epes_dyn_flow,
        "dynamicness_scores": dynamicness_scores,
        "moving_average_importance": moving_average_importance,
        "bias_counter": bias_counter,
    }


def reference(epes_stat_flow, epes_dyn_flow, dynamicness_scores, moving_average_importance, bias_counter):
    # update(..., moving_mask=None, training=True), unsupervised branch
    improvements = epes_stat_flow - epes_dyn_flow
    # _compute_bin_idxs
    idxs = (RESOLUTION * (dynamicness_scores - V0) / VR).astype(jnp.int32)
    idxs = jnp.minimum(idxs, RESOLUTION - 1)
    # tf.scatter_nd -> scatter-add into histogram bins
    cur_result = jnp.zeros((RESOLUTION,), dtype=jnp.float32).at[idxs].add(improvements)
    # _update_values
    n_pts = epes_stat_flow.shape[0]
    cur_update_weight = jnp.asarray((1.0 - UPDATE_WEIGHT) ** float(n_pts), dtype=jnp.float32)
    new_importance = moving_average_importance * cur_update_weight + (1.0 - cur_update_weight) * cur_result
    new_bias = bias_counter * cur_update_weight + (1.0 - cur_update_weight)
    # _compute_optimal_score_threshold
    improv_over_thresh = jnp.concatenate([jnp.zeros((1,), dtype=jnp.float32), jnp.cumsum(new_importance)], axis=0)
    best_improv = jnp.min(improv_over_thresh)
    mask = jnp.equal(improv_over_thresh, best_improv)
    idx_vals = jnp.arange(RESOLUTION + 1, dtype=jnp.float32)
    avg_optimal_idx = jnp.sum(jnp.where(mask, idx_vals, 0.0)) / jnp.sum(mask.astype(jnp.float32))
    optimal_score_threshold = V0 + avg_optimal_idx * VR / RESOLUTION
    # value()
    result = jnp.where(new_bias > 0.0, optimal_score_threshold, jnp.asarray(START_VALUE, jnp.float32))
    return result

if __name__ == "__main__":
    import jax
    _d = setup_inputs()
    print(jax.jit(kernel)(*tuple(_d.values())))

</pallas_src>

<mosaic_0001>
#map = affine_map<(d0, d1) -> (0)>
module attributes {stable_mosaic.version = 14 : i64} {
  func.func @_sc_hist_body(%arg0: i32, %arg1: i32, %arg2: memref<8388608xf32, #tpu.memory_space<hbm>>, %arg3: memref<8388608xf32, #tpu.memory_space<hbm>>, %arg4: memref<8388608xf32, #tpu.memory_space<hbm>>, %arg5: memref<200192xf32, #tpu.memory_space<hbm>>, %arg6: memref<100096xf32, #tpu.memory_space<vmem_shared>>, %arg7: memref<8192xf32, #tpu.memory_space<vmem>>, %arg8: memref<8192xf32, #tpu.memory_space<vmem>>, %arg9: memref<8192xf32, #tpu.memory_space<vmem>>, %arg10: memref<8192xf32, #tpu.memory_space<vmem>>, %arg11: memref<8192xf32, #tpu.memory_space<vmem>>, %arg12: memref<8192xf32, #tpu.memory_space<vmem>>, %arg13: memref<8192xf32, #tpu.memory_space<vmem>>, %arg14: memref<8192xf32, #tpu.memory_space<vmem>>, %arg15: memref<8192xi32, #tpu.memory_space<vmem>>, %arg16: memref<8192xi32, #tpu.memory_space<vmem>>, %arg17: memref<6256xf32, #tpu.memory_space<vmem>>, %arg18: memref<!tpu.dma_semaphore, #tpu.memory_space<semaphore_mem>>, %arg19: memref<!tpu.dma_semaphore, #tpu.memory_space<semaphore_mem>>, %arg20: memref<!tpu.dma_semaphore, #tpu.memory_space<semaphore_mem>>, %arg21: memref<!tpu.dma_semaphore, #tpu.memory_space<semaphore_mem>>) attributes {dimension_semantics = [#tpu.dimension_semantics<core_parallel>, #tpu.dimension_semantics<subcore_parallel>], iteration_bounds = array<i64: 2, 16>, scalar_prefetch = 0 : i64, scratch_operands = 16 : i64, tpu.core_type = #tpu.core_type<sc_vector_subcore>, window_params = [{transform_indices = #map}, {transform_indices = #map}, {transform_indices = #map}, {transform_indices = #map}]} {
    %mul3A = arith.constant 2 : i32
    %mul3A_0 = arith.muli %arg1, %mul3A : i32
    %add3A = arith.addi %mul3A_0, %arg0 : i32
    %scan3A = arith.constant 0 : i32
    %scan3A_1 = arith.constant 391 : i32
    %scan3A_2 = arith.addi %scan3A, %scan3A_1 : i32
    %scan3A_3 = arith.constant 1 : i32
    scf.for %scan3A_40 = %scan3A to %scan3A_2 step %scan3A_3  : i32 {
      %mul3A_41 = arith.constant 1 : i32
      %mul3A_42 = arith.muli %scan3A_40, %mul3A_41 : i32
      %add3A_43 = arith.constant 0 : i32
      %add3A_44 = arith.addi %add3A_43, %mul3A_42 : i32
      %broadcast_in_dim3A = arith.constant 0.000000e+00 : f32
      %broadcast_in_dim3A_45 = vector.broadcast %broadcast_in_dim3A : f32 to vector<16xf32>
      %mul3A_46 = arith.constant 16 : i32
      %mul3A_47 = arith.muli %add3A_44, %mul3A_46 : i32
      %swap3A = arith.index_cast %mul3A_47 : i32 to index
      %swap3A_48 = tpu.vector_load %arg17[%swap3A] {strides = array<i32>} : memref<6256xf32, #tpu.memory_space<vmem>>, vector<16xf32>,
      %swap3A_49 = vector.shape_cast %swap3A_48 : vector<16xf32> to vector<16xf32>
      %swap3A_50 = vector.shape_cast %broadcast_in_dim3A_45 : vector<16xf32> to vector<16xf32>
      tpu.vector_store %arg17[%swap3A], %swap3A_50 {strides = array<i32>} : memref<6256xf32, #tpu.memory_space<vmem>>, vector<16xf32>,
    }
    %scan3A_4 = arith.constant 391 : i32
    %mul3A_5 = arith.constant 6256 : i32
    %mul3A_6 = arith.muli %arg1, %mul3A_5 : i32
    "tpu.region"() ({
      %run_scoped3A = tpu.sem_alloc : memref<!tpu.dma_semaphore, #tpu.memory_space<semaphore_mem>>
      %dma_start3A_40 = tpu.memref_slice %arg6[%mul3A_6] : memref<100096xf32, #tpu.memory_space<vmem_shared>> -> memref<6256xf32, #tpu.memory_space<vmem_shared>>
      %dma_start3A_41 = tpu.memref_slice %arg6[%mul3A_6] : memref<100096xf32, #tpu.memory_space<vmem_shared>> -> memref<6256xf32, #tpu.memory_space<vmem_shared>>
      tpu.enqueue_dma source(%arg17 : memref<6256xf32, #tpu.memory_space<vmem>>) target(%dma_start3A_41 : memref<6256xf32, #tpu.memory_space<vmem_shared>>) target_semaphore(%run_scoped3A : memref<!tpu.dma_semaphore, #tpu.memory_space<semaphore_mem>>)
      %dma_wait3A_42 = tpu.memref_slice %arg6[%mul3A_6] : memref<100096xf32, #tpu.memory_space<vmem_shared>> -> memref<6256xf32, #tpu.memory_space<vmem_shared>>
      %dma_wait3A_43 = tpu.memref_slice %arg6[%mul3A_6] : memref<100096xf32, #tpu.memory_space<vmem_shared>> -> memref<6256xf32, #tpu.memory_space<vmem_shared>>
      tpu.wait_dma2 semaphore(%run_scoped3A : memref<!tpu.dma_semaphore, #tpu.memory_space<semaphore_mem>>) src(%arg17 : memref<6256xf32, #tpu.memory_space<vmem>>) dst(%dma_wait3A_43 : memref<6256xf32, #tpu.memory_space<vmem_shared>>)
      tpu.yield
    }) : () -> ()
    %barrier3A = arith.constant 0 : index
    tpu.barrier barrier_id(%barrier3A)
    %mul3A_7 = arith.constant 262144 : i32
    %mul3A_8 = arith.muli %add3A, %mul3A_7 : i32
    %add3A_9 = arith.constant 0 : i32
    %add3A_10 = arith.addi %mul3A_8, %add3A_9 : i32
    %dma_start3A = tpu.memref_slice %arg2[%add3A_10] : memref<8388608xf32, #tpu.memory_space<hbm>> -> memref<8192xf32, #tpu.memory_space<hbm>>
    %dma_start3A_11 = tpu.memref_slice %arg2[%add3A_10] : memref<8388608xf32, #tpu.memory_space<hbm>> -> memref<8192xf32, #tpu.memory_space<hbm>>
    tpu.enqueue_dma source(%dma_start3A_11 : memref<8192xf32, #tpu.memory_space<hbm>>) target(%arg7 : memref<8192xf32, #tpu.memory_space<vmem>>) target_semaphore(%arg18 : memref<!tpu.dma_semaphore, #tpu.memory_space<semaphore_mem>>)
    %dma_start3A_12 = tpu.memref_slice %arg3[%add3A_10] : memref<8388608xf32, #tpu.memory_space<hbm>> -> memref<8192xf32, #tpu.memory_space<hbm>>
    %dma_start3A_13 = tpu.memref_slice %arg3[%add3A_10] : memref<8388608xf32, #tpu.memory_space<hbm>> -> memref<8192xf32, #tpu.memory_space<hbm>>
    tpu.enqueue_dma source(%dma_start3A_13 : memref<8192xf32, #tpu.memory_space<hbm>>) target(%arg9 : memref<8192xf32, #tpu.memory_space<vmem>>) target_semaphore(%arg18 : memref<!tpu.dma_semaphore, #tpu.memory_space<semaphore_mem>>)
    %dma_start3A_14 = tpu.memref_slice %arg4[%add3A_10] : memref<8388608xf32, #tpu.memory_space<hbm>> -> memref<8192xf32, #tpu.memory_space<hbm>>
    %dma_start3A_15 = tpu.memref_slice %arg4[%add3A_10] : memref<8388608xf32, #tpu.memory_space<hbm>> -> memref<8192xf32, #tpu.memory_space<hbm>>
    tpu.enqueue_dma source(%dma_start3A_15 : memref<8192xf32, #tpu.memory_space<hbm>>) target(%arg11 : memref<8192xf32, #tpu.memory_space<vmem>>) target_semaphore(%arg18 : memref<!tpu.dma_semaphore, #tpu.memory_space<semaphore_mem>>)
    %add3A_16 = arith.constant 8192 : i32
    %add3A_17 = arith.addi %mul3A_8, %add3A_16 : i32
    %dma_start3A_18 = tpu.memref_slice %arg2[%add3A_17] : memref<8388608xf32, #tpu.memory_space<hbm>> -> memref<8192xf32, #tpu.memory_space<hbm>>
    %dma_start3A_19 = tpu.memref_slice %arg2[%add3A_17] : memref<8388608xf32, #tpu.memory_space<hbm>> -> memref<8192xf32, #tpu.memory_space<hbm>>
    tpu.enqueue_dma source(%dma_start3A_19 : memref<8192xf32, #tpu.memory_space<hbm>>) target(%arg8 : memref<8192xf32, #tpu.memory_space<vmem>>) target_semaphore(%arg19 : memref<!tpu.dma_semaphore, #tpu.memory_space<semaphore_mem>>)
    %dma_start3A_20 = tpu.memref_slice %arg3[%add3A_17] : memref<8388608xf32, #tpu.memory_space<hbm>> -> memref<8192xf32, #tpu.memory_space<hbm>>
    %dma_start3A_21 = tpu.memref_slice %arg3[%add3A_17] : memref<8388608xf32, #tpu.memory_space<hbm>> -> memref<8192xf32, #tpu.memory_space<hbm>>
    tpu.enqueue_dma source(%dma_start3A_21 : memref<8192xf32, #tpu.memory_space<hbm>>) target(%arg10 : memref<8192xf32, #tpu.memory_space<vmem>>) target_semaphore(%arg19 : memref<!tpu.dma_semaphore, #tpu.memory_space<semaphore_mem>>)
    %dma_start3A_22 = tpu.memref_slice %arg4[%add3A_17] : memref<8388608xf32, #tpu.memory_space<hbm>> -> memref<8192xf32, #tpu.memory_space<hbm>>
    %dma_start3A_23 = tpu.memref_slice %arg4[%add3A_17] : memref<8388608xf32, #tpu.memory_space<hbm>> -> memref<8192xf32, #tpu.memory_space<hbm>>
    tpu.enqueue_dma source(%dma_start3A_23 : memref<8192xf32, #tpu.memory_space<hbm>>) target(%arg12 : memref<8192xf32, #tpu.memory_space<vmem>>) target_semaphore(%arg19 : memref<!tpu.dma_semaphore, #tpu.memory_space<semaphore_mem>>)
    %scan3A_24 = arith.constant 0 : i32
    %scan3A_25 = arith.constant 16 : i32
    %scan3A_26 = arith.addi %scan3A_24, %scan3A_25 : i32
    %scan3A_27 = arith.constant 1 : i32
    scf.for %scan3A_40 = %scan3A_24 to %scan3A_26 step %scan3A_27  : i32 {
      %mul3A_41 = arith.constant 1 : i32
      %mul3A_42 = arith.muli %scan3A_40, %mul3A_41 : i32
      %add3A_43 = arith.constant 0 : i32
      %add3A_44 = arith.addi %add3A_43, %mul3A_42 : i32
      %mul3A_45 = arith.constant 2 : i32
      %mul3A_46 = arith.muli %add3A_44, %mul3A_45 : i32
      %add3A_47 = arith.constant 0 : i32
      %add3A_48 = arith.addi %mul3A_46, %add3A_47 : i32
      %mul3A_49 = arith.constant 8192 : i32
      %mul3A_50 = arith.muli %add3A_48, %mul3A_49 : i32
      %add3A_51 = arith.addi %mul3A_8, %mul3A_50 : i32
      %dma_wait3A_52 = tpu.memref_slice %arg2[%add3A_51] : memref<8388608xf32, #tpu.memory_space<hbm>> -> memref<8192xf32, #tpu.memory_space<hbm>>
      %dma_wait3A_53 = tpu.memref_slice %arg2[%add3A_51] : memref<8388608xf32, #tpu.memory_space<hbm>> -> memref<8192xf32, #tpu.memory_space<hbm>>
      tpu.wait_dma2 semaphore(%arg18 : memref<!tpu.dma_semaphore, #tpu.memory_space<semaphore_mem>>) src(%dma_wait3A_53 : memref<8192xf32, #tpu.memory_space<hbm>>) dst(%arg7 : memref<8192xf32, #tpu.memory_space<vmem>>)
      %dma_wait3A_54 = tpu.memref_slice %arg3[%add3A_51] : memref<8388608xf32, #tpu.memory_space<hbm>> -> memref<8192xf32, #tpu.memory_space<hbm>>
      %dma_wait3A_55 = tpu.memref_slice %arg3[%add3A_51] : memref<8388608xf32, #tpu.memory_space<hbm>> -> memref<8192xf32, #tpu.memory_space<hbm>>
      tpu.wait_dma2 semaphore(%arg18 : memref<!tpu.dma_semaphore, #tpu.memory_space<semaphore_mem>>) src(%dma_wait3A_55 : memref<8192xf32, #tpu.memory_space<hbm>>) dst(%arg9 : memref<8192xf32, #tpu.memory_space<vmem>>)
      %dma_wait3A_56 = tpu.memref_slice %arg4[%add3A_51] : memref<8388608xf32, #tpu.memory_space<hbm>> -> memref<8192xf32, #tpu.memory_space<hbm>>
      %dma_wait3A_57 = tpu.memref_slice %arg4[%add3A_51] : memref<8388608xf32, #tpu.memory_space<hbm>> -> memref<8192xf32, #tpu.memory_space<hbm>>
      tpu.wait_dma2 semaphore(%arg18 : memref<!tpu.dma_semaphore, #tpu.memory_space<semaphore_mem>>) src(%dma_wait3A_57 : memref<8192xf32, #tpu.memory_space<hbm>>) dst(%arg11 : memref<8192xf32, #tpu.memory_space<vmem>>)
      %ge3A = arith.constant 2 : i32
      %ge3A_58 = arith.cmpi sge, %add3A_48, %ge3A : i32
      %convert_element_type3A = arith.extui %ge3A_58 : i1 to i32
      %cond3A = arith.constant 0 : i32
      %cond3A_59 = arith.cmpi ne, %convert_element_type3A, %cond3A : i32
      scf.if %cond3A_59 {
        %dma_wait3A_105 = arith.constant 0 : i32
        %dma_wait3A_106 = tpu.memref_slice %arg6[%dma_wait3A_105] : memref<100096xf32, #tpu.memory_space<vmem_shared>> -> memref<100096xf32, #tpu.memory_space<vmem_shared>>
        tpu.wait_indirect_dma semaphore(%arg20 : memref<!tpu.dma_semaphore, #tpu.memory_space<semaphore_mem>>) src(%arg13 : memref<8192xf32, #tpu.memory_space<vmem>>) dst(%dma_wait3A_106 : memref<100096xf32, #tpu.memory_space<vmem_shared>>)
      } else {
      }
      %scan3A_60 = arith.constant 0 : i32
      %scan3A_61 = arith.constant 512 : i32
      %scan3A_62 = arith.addi %scan3A_60, %scan3A_61 : i32
      %scan3A_63 = arith.constant 8 : i32
      scf.for %scan3A_105 = %scan3A_60 to %scan3A_62 step %scan3A_63  : i32 {
        %mul3A_106 = arith.constant 1 : i32
        %mul3A_107 = arith.muli %scan3A_105, %mul3A_106 : i32
        %add3A_108 = arith.constant 0 : i32
        %add3A_109 = arith.addi %add3A_108, %mul3A_107 : i32
        %mul3A_110 = arith.constant 16 : i32
        %mul3A_111 = arith.muli %add3A_109, %mul3A_110 : i32
        %get3A = arith.index_cast %mul3A_111 : i32 to index
        %get3A_112 = tpu.vector_load %arg7[%get3A] {strides = array<i32>} : memref<8192xf32, #tpu.memory_space<vmem>>, vector<16xf32>,
        %get3A_113 = vector.shape_cast %get3A_112 : vector<16xf32> to vector<16xf32>
        %mul3A_114 = arith.constant 16 : i32
        %mul3A_115 = arith.muli %add3A_109, %mul3A_114 : i32
        %get3A_116 = arith.index_cast %mul3A_115 : i32 to index
        %get3A_117 = tpu.vector_load %arg9[%get3A_116] {strides = array<i32>} : memref<8192xf32, #tpu.memory_space<vmem>>, vector<16xf32>,
        %get3A_118 = vector.shape_cast %get3A_117 : vector<16xf32> to vector<16xf32>
        %mul3A_119 = arith.constant 16 : i32
        %mul3A_120 = arith.muli %add3A_109, %mul3A_119 : i32
        %get3A_121 = arith.index_cast %mul3A_120 : i32 to index
        %get3A_122 = tpu.vector_load %arg11[%get3A_121] {strides = array<i32>} : memref<8192xf32, #tpu.memory_space<vmem>>, vector<16xf32>,
        %get3A_123 = vector.shape_cast %get3A_122 : vector<16xf32> to vector<16xf32>
        %sub3A = arith.subf %get3A_113, %get3A_118 : vector<16xf32>
        %mul3A_124 = arith.constant 1.000000e+05 : f32
        %mul3A_125 = vector.broadcast %mul3A_124 : f32 to vector<16xf32>
        %mul3A_126 = arith.mulf %get3A_123, %mul3A_125 : vector<16xf32>
        %convert_element_type3A_127 = arith.fptosi %mul3A_126 : vector<16xf32> to vector<16xi32>
        %min3A = arith.constant 99999 : i32
        %min3A_128 = vector.broadcast %min3A : i32 to vector<16xi32>
        %min3A_129 = arith.minsi %convert_element_type3A_127, %min3A_128 : vector<16xi32>
        %mul3A_130 = arith.constant 16 : i32
        %mul3A_131 = arith.muli %add3A_109, %mul3A_130 : i32
        %swap3A = arith.index_cast %mul3A_131 : i32 to index
        %swap3A_132 = tpu.vector_load %arg13[%swap3A] {strides = array<i32>} : memref<8192xf32, #tpu.memory_space<vmem>>, vector<16xf32>,
        %swap3A_133 = vector.shape_cast %swap3A_132 : vector<16xf32> to vector<16xf32>
        %swap3A_134 = vector.shape_cast %sub3A : vector<16xf32> to vector<16xf32>
        tpu.vector_store %arg13[%swap3A], %swap3A_134 {strides = array<i32>} : memref<8192xf32, #tpu.memory_space<vmem>>, vector<16xf32>,
        %mul3A_135 = arith.constant 16 : i32
        %mul3A_136 = arith.muli %add3A_109, %mul3A_135 : i32
        %swap3A_137 = arith.index_cast %mul3A_136 : i32 to index
        %swap3A_138 = tpu.vector_load %arg15[%swap3A_137] {strides = array<i32>} : memref<8192xi32, #tpu.memory_space<vmem>>, vector<16xi32>,
        %swap3A_139 = vector.shape_cast %swap3A_138 : vector<16xi32> to vector<16xi32>
        %swap3A_140 = vector.shape_cast %min3A_129 : vector<16xi32> to vector<16xi32>
        tpu.vector_store %arg15[%swap3A_137], %swap3A_140 {strides = array<i32>} : memref<8192xi32, #tpu.memory_space<vmem>>, vector<16xi32>,
        %scan3A_141 = arith.constant 1 : i32
        %scan3A_142 = arith.addi %scan3A_105, %scan3A_141 : i32
        %mul3A_143 = arith.constant 1 : i32
        %mul3A_144 = arith.muli %scan3A_142, %mul3A_143 : i32
        %add3A_145 = arith.constant 0 : i32
        %add3A_146 = arith.addi %add3A_145, %mul3A_144 : i32
        %mul3A_147 = arith.constant 16 : i32
        %mul3A_148 = arith.muli %add3A_146, %mul3A_147 : i32
        %get3A_149 = arith.index_cast %mul3A_148 : i32 to index
        %get3A_150 = tpu.vector_load %arg7[%get3A_149] {strides = array<i32>} : memref<8192xf32, #tpu.memory_space<vmem>>, vector<16xf32>,
        %get3A_151 = vector.shape_cast %get3A_150 : vector<16xf32> to vector<16xf32>
        %mul3A_152 = arith.constant 16 : i32
        %mul3A_153 = arith.muli %add3A_146, %mul3A_152 : i32
        %get3A_154 = arith.index_cast %mul3A_153 : i32 to index
        %get3A_155 = tpu.vector_load %arg9[%get3A_154] {strides = array<i32>} : memref<8192xf32, #tpu.memory_space<vmem>>, vector<16xf32>,
        %get3A_156 = vector.shape_cast %get3A_155 : vector<16xf32> to vector<16xf32>
        %mul3A_157 = arith.constant 16 : i32
        %mul3A_158 = arith.muli %add3A_146, %mul3A_157 : i32
        %get3A_159 = arith.index_cast %mul3A_158 : i32 to index
        %get3A_160 = tpu.vector_load %arg11[%get3A_159] {strides = array<i32>} : memref<8192xf32, #tpu.memory_space<vmem>>, vector<16xf32>,
        %get3A_161 = vector.shape_cast %get3A_160 : vector<16xf32> to vector<16xf32>
        %sub3A_162 = arith.subf %get3A_151, %get3A_156 : vector<16xf32>
        %mul3A_163 = arith.constant 1.000000e+05 : f32
        %mul3A_164 = vector.broadcast %mul3A_163 : f32 to vector<16xf32>
        %mul3A_165 = arith.mulf %get3A_161, %mul3A_164 : vector<16xf32>
        %convert_element_type3A_166 = arith.fptosi %mul3A_165 : vector<16xf32> to vector<16xi32>
        %min3A_167 = arith.constant 99999 : i32
        %min3A_168 = vector.broadcast %min3A_167 : i32 to vector<16xi32>
        %min3A_169 = arith.minsi %convert_element_type3A_166, %min3A_168 : vector<16xi32>
        %mul3A_170 = arith.constant 16 : i32
        %mul3A_171 = arith.muli %add3A_146, %mul3A_170 : i32
        %swap3A_172 = arith.index_cast %mul3A_171 : i32 to index
        %swap3A_173 = tpu.vector_load %arg13[%swap3A_172] {strides = array<i32>} : memref<8192xf32, #tpu.memory_space<vmem>>, vector<16xf32>,
        %swap3A_174 = vector.shape_cast %swap3A_173 : vector<16xf32> to vector<16xf32>
        %swap3A_175 = vector.shape_cast %sub3A_162 : vector<16xf32> to vector<16xf32>
        tpu.vector_store %arg13[%swap3A_172], %swap3A_175 {strides = array<i32>} : memref<8192xf32, #tpu.memory_space<vmem>>, vector<16xf32>,
        %mul3A_176 = arith.constant 16 : i32
        %mul3A_177 = arith.muli %add3A_146, %mul3A_176 : i32
        %swap3A_178 = arith.index_cast %mul3A_177 : i32 to index
        %swap3A_179 = tpu.vector_load %arg15[%swap3A_178] {strides = array<i32>} : memref<8192xi32, #tpu.memory_space<vmem>>, vector<16xi32>,
        %swap3A_180 = vector.shape_cast %swap3A_179 : vector<16xi32> to vector<16xi32>
        %swap3A_181 = vector.shape_cast %min3A_169 : vector<16xi32> to vector<16xi32>
        tpu.vector_store %arg15[%swap3A_178], %swap3A_181 {strides = array<i32>} : memref<8192xi32, #tpu.memory_space<vmem>>, vector<16xi32>,
        %scan3A_182 = arith.constant 2 : i32
        %scan3A_183 = arith.addi %scan3A_105, %scan3A_182 : i32
        %mul3A_184 = arith.constant 1 : i32
        %mul3A_185 = arith.muli %scan3A_183, %mul3A_184 : i32
        %add3A_186 = arith.constant 0 : i32
        %add3A_187 = arith.addi %add3A_186, %mul3A_185 : i32
        %mul3A_188 = arith.constant 16 : i32
        %mul3A_189 = arith.muli %add3A_187, %mul3A_188 : i32
        %get3A_190 = arith.index_cast %mul3A_189 : i32 to index
        %get3A_191 = tpu.vector_load %arg7[%get3A_190] {strides = array<i32>} : memref<8192xf32, #tpu.memory_space<vmem>>, vector<16xf32>,
        %get3A_192 = vector.shape_cast %get3A_191 : vector<16xf32> to vector<16xf32>
        %mul3A_193 = arith.constant 16 : i32
        %mul3A_194 = arith.muli %add3A_187, %mul3A_193 : i32
        %get3A_195 = arith.index_cast %mul3A_194 : i32 to index
        %get3A_196 = tpu.vector_load %arg9[%get3A_195] {strides = array<i32>} : memref<8192xf32, #tpu.memory_space<vmem>>, vector<16xf32>,
        %get3A_197 = vector.shape_cast %get3A_196 : vector<16xf32> to vector<16xf32>
        %mul3A_198 = arith.constant 16 : i32
        %mul3A_199 = arith.muli %add3A_187, %mul3A_198 : i32
        %get3A_200 = arith.index_cast %mul3A_199 : i32 to index
        %get3A_201 = tpu.vector_load %arg11[%get3A_200] {strides = array<i32>} : memref<8192xf32, #tpu.memory_space<vmem>>, vector<16xf32>,
        %get3A_202 = vector.shape_cast %get3A_201 : vector<16xf32> to vector<16xf32>
        %sub3A_203 = arith.subf %get3A_192, %get3A_197 : vector<16xf32>
        %mul3A_204 = arith.constant 1.000000e+05 : f32
        %mul3A_205 = vector.broadcast %mul3A_204 : f32 to vector<16xf32>
        %mul3A_206 = arith.mulf %get3A_202, %mul3A_205 : vector<16xf32>
        %convert_element_type3A_207 = arith.fptosi %mul3A_206 : vector<16xf32> to vector<16xi32>
        %min3A_208 = arith.constant 99999 : i32
        %min3A_209 = vector.broadcast %min3A_208 : i32 to vector<16xi32>
        %min3A_210 = arith.minsi %convert_element_type3A_207, %min3A_209 : vector<16xi32>
        %mul3A_211 = arith.constant 16 : i32
        %mul3A_212 = arith.muli %add3A_187, %mul3A_211 : i32
        %swap3A_213 = arith.index_cast %mul3A_212 : i32 to index
        %swap3A_214 = tpu.vector_load %arg13[%swap3A_213] {strides = array<i32>} : memref<8192xf32, #tpu.memory_space<vmem>>, vector<16xf32>,
        %swap3A_215 = vector.shape_cast %swap3A_214 : vector<16xf32> to vector<16xf32>
        %swap3A_216 = vector.shape_cast %sub3A_203 : vector<16xf32> to vector<16xf32>
        tpu.vector_store %arg13[%swap3A_213], %swap3A_216 {strides = array<i32>} : memref<8192xf32, #tpu.memory_space<vmem>>, vector<16xf32>,
        %mul3A_217 = arith.constant 16 : i32
        %mul3A_218 = arith.muli %add3A_187, %mul3A_217 : i32
        %swap3A_219 = arith.index_cast %mul3A_218 : i32 to index
        %swap3A_220 = tpu.vector_load %arg15[%swap3A_219] {strides = array<i32>} : memref<8192xi32, #tpu.memory_space<vmem>>, vector<16xi32>,
        %swap3A_221 = vector.shape_cast %swap3A_220 : vector<16xi32> to vector<16xi32>
        %swap3A_222 = vector.shape_cast %min3A_210 : vector<16xi32> to vector<16xi32>
        tpu.vector_store %arg15[%swap3A_219], %swap3A_222 {strides = array<i32>} : memref<8192xi32, #tpu.memory_space<vmem>>, vector<16xi32>,
        %scan3A_223 = arith.constant 3 : i32
        %scan3A_224 = arith.addi %scan3A_105, %scan3A_223 : i32
        %mul3A_225 = arith.constant 1 : i32
        %mul3A_226 = arith.muli %scan3A_224, %mul3A_225 : i32
        %add3A_227 = arith.constant 0 : i32
        %add3A_228 = arith.addi %add3A_227, %mul3A_226 : i32
        %mul3A_229 = arith.constant 16 : i32
        %mul3A_230 = arith.muli %add3A_228, %mul3A_229 : i32
        %get3A_231 = arith.index_cast %mul3A_230 : i32 to index
        %get3A_232 = tpu.vector_load %arg7[%get3A_231] {strides = array<i32>} : memref<8192xf32, #tpu.memory_space<vmem>>, vector<16xf32>,
        %get3A_233 = vector.shape_cast %get3A_232 : vector<16xf32> to vector<16xf32>
        %mul3A_234 = arith.constant 16 : i32
        %mul3A_235 = arith.muli %add3A_228, %mul3A_234 : i32
        %get3A_236 = arith.index_cast %mul3A_235 : i32 to index
        %get3A_237 = tpu.vector_load %arg9[%get3A_236] {strides = array<i32>} : memref<8192xf32, #tpu.memory_space<vmem>>, vector<16xf32>,
        %get3A_238 = vector.shape_cast %get3A_237 : vector<16xf32> to vector<16xf32>
        %mul3A_239 = arith.constant 16 : i32
        %mul3A_240 = arith.muli %add3A_228, %mul3A_239 : i32
        %get3A_241 = arith.index_cast %mul3A_240 : i32 to index
        %get3A_242 = tpu.vector_load %arg11[%get3A_241] {strides = array<i32>} : memref<8192xf32, #tpu.memory_space<vmem>>, vector<16xf32>,
        %get3A_243 = vector.shape_cast %get3A_242 : vector<16xf32> to vector<16xf32>
        %sub3A_244 = arith.subf %get3A_233, %get3A_238 : vector<16xf32>
        %mul3A_245 = arith.constant 1.000000e+05 : f32
        %mul3A_246 = vector.broadcast %mul3A_245 : f32 to vector<16xf32>
        %mul3A_247 = arith.mulf %get3A_243, %mul3A_246 : vector<16xf32>
        %convert_element_type3A_248 = arith.fptosi %mul3A_247 : vector<16xf32> to vector<16xi32>
        %min3A_249 = arith.constant 99999 : i32
        %min3A_250 = vector.broadcast %min3A_249 : i32 to vector<16xi32>
        %min3A_251 = arith.minsi %convert_element_type3A_248, %min3A_250 : vector<16xi32>
        %mul3A_252 = arith.constant 16 : i32
        %mul3A_253 = arith.muli %add3A_228, %mul3A_252 : i32
        %swap3A_254 = arith.index_cast %mul3A_253 : i32 to index
        %swap3A_255 = tpu.vector_load %arg13[%swap3A_254] {strides = array<i32>} : memref<8192xf32, #tpu.memory_space<vmem>>, vector<16xf32>,
        %swap3A_256 = vector.shape_cast %swap3A_255 : vector<16xf32> to vector<16xf32>
        %swap3A_257 = vector.shape_cast %sub3A_244 : vector<16xf32> to vector<16xf32>
        tpu.vector_store %arg13[%swap3A_254], %swap3A_257 {strides = array<i32>} : memref<8192xf32, #tpu.memory_space<vmem>>, vector<16xf32>,
        %mul3A_258 = arith.constant 16 : i32
        %mul3A_259 = arith.muli %add3A_228, %mul3A_258 : i32
        %swap3A_260 = arith.index_cast %mul3A_259 : i32 to index
        %swap3A_261 = tpu.vector_load %arg15[%swap3A_260] {strides = array<i32>} : memref<8192xi32, #tpu.memory_space<vmem>>, vector<16xi32>,
        %swap3A_262 = vector.shape_cast %swap3A_261 : vector<16xi32> to vector<16xi32>
        %swap3A_263 = vector.shape_cast %min3A_251 : vector<16xi32> to vector<16xi32>
        tpu.vector_store %arg15[%swap3A_260], %swap3A_263 {strides = array<i32>} : memref<8192xi32, #tpu.memory_space<vmem>>, vector<16xi32>,
        %scan3A_264 = arith.constant 4 : i32
        %scan3A_265 = arith.addi %scan3A_105, %scan3A_264 : i32
        %mul3A_266 = arith.constant 1 : i32
        %mul3A_267 = arith.muli %scan3A_265, %mul3A_266 : i32
        %add3A_268 = arith.constant 0 : i32
        %add3A_269 = arith.addi %add3A_268, %mul3A_267 : i32
        %mul3A_270 = arith.constant 16 : i32
        %mul3A_271 = arith.muli %add3A_269, %mul3A_270 : i32
        %get3A_272 = arith.index_cast %mul3A_271 : i32 to index
        %get3A_273 = tpu.vector_load %arg7[%get3A_272] {strides = array<i32>} : memref<8192xf32, #tpu.memory_space<vmem>>, vector<16xf32>,
        %get3A_274 = vector.shape_cast %get3A_273 : vector<16xf32> to vector<16xf32>
        %mul3A_275 = arith.constant 16 : i32
        %mul3A_276 = arith.muli %add3A_269, %mul3A_275 : i32
        %get3A_277 = arith.index_cast %mul3A_276 : i32 to index
        %get3A_278 = tpu.vector_load %arg9[%get3A_277] {strides = array<i32>} : memref<8192xf32, #tpu.memory_space<vmem>>, vector<16xf32>,
        %get3A_279 = vector.shape_cast %get3A_278 : vector<16xf32> to vector<16xf32>
        %mul3A_280 = arith.constant 16 : i32
        %mul3A_281 = arith.muli %add3A_269, %mul3A_280 : i32
        %get3A_282 = arith.index_cast %mul3A_281 : i32 to index
        %get3A_283 = tpu.vector_load %arg11[%get3A_282] {strides = array<i32>} : memref<8192xf32, #tpu.memory_space<vmem>>, vector<16xf32>,
        %get3A_284 = vector.shape_cast %get3A_283 : vector<16xf32> to vector<16xf32>
        %sub3A_285 = arith.subf %get3A_274, %get3A_279 : vector<16xf32>
        %mul3A_286 = arith.constant 1.000000e+05 : f32
        %mul3A_287 = vector.broadcast %mul3A_286 : f32 to vector<16xf32>
        %mul3A_288 = arith.mulf %get3A_284, %mul3A_287 : vector<16xf32>
        %convert_element_type3A_289 = arith.fptosi %mul3A_288 : vector<16xf32> to vector<16xi32>
        %min3A_290 = arith.constant 99999 : i32
        %min3A_291 = vector.broadcast %min3A_290 : i32 to vector<16xi32>
        %min3A_292 = arith.minsi %convert_element_type3A_289, %min3A_291 : vector<16xi32>
        %mul3A_293 = arith.constant 16 : i32
        %mul3A_294 = arith.muli %add3A_269, %mul3A_293 : i32
        %swap3A_295 = arith.index_cast %mul3A_294 : i32 to index
        %swap3A_296 = tpu.vector_load %arg13[%swap3A_295] {strides = array<i32>} : memref<8192xf32, #tpu.memory_space<vmem>>, vector<16xf32>,
        %swap3A_297 = vector.shape_cast %swap3A_296 : vector<16xf32> to vector<16xf32>
        %swap3A_298 = vector.shape_cast %sub3A_285 : vector<16xf32> to vector<16xf32>
        tpu.vector_store %arg13[%swap3A_295], %swap3A_298 {strides = array<i32>} : memref<8192xf32, #tpu.memory_space<vmem>>, vector<16xf32>,
        %mul3A_299 = arith.constant 16 : i32
        %mul3A_300 = arith.muli %add3A_269, %mul3A_299 : i32
        %swap3A_301 = arith.index_cast %mul3A_300 : i32 to index
        %swap3A_302 = tpu.vector_load %arg15[%swap3A_301] {strides = array<i32>} : memref<8192xi32, #tpu.memory_space<vmem>>, vector<16xi32>,
        %swap3A_303 = vector.shape_cast %swap3A_302 : vector<16xi32> to vector<16xi32>
        %swap3A_304 = vector.shape_cast %min3A_292 : vector<16xi32> to vector<16xi32>
        tpu.vector_store %arg15[%swap3A_301], %swap3A_304 {strides = array<i32>} : memref<8192xi32, #tpu.memory_space<vmem>>, vector<16xi32>,
        %scan3A_305 = arith.constant 5 : i32
        %scan3A_306 = arith.addi %scan3A_105, %scan3A_305 : i32
        %mul3A_307 = arith.constant 1 : i32
        %mul3A_308 = arith.muli %scan3A_306, %mul3A_307 : i32
        %add3A_309 = arith.constant 0 : i32
        %add3A_310 = arith.addi %add3A_309, %mul3A_308 : i32
        %mul3A_311 = arith.constant 16 : i32
        %mul3A_312 = arith.muli %add3A_310, %mul3A_311 : i32
        %get3A_313 = arith.index_cast %mul3A_312 : i32 to index
        %get3A_314 = tpu.vector_load %arg7[%get3A_313] {strides = array<i32>} : memref<8192xf32, #tpu.memory_space<vmem>>, vector<16xf32>,
        %get3A_315 = vector.shape_cast %get3A_314 : vector<16xf32> to vector<16xf32>
        %mul3A_316 = arith.constant 16 : i32
        %mul3A_317 = arith.muli %add3A_310, %mul3A_316 : i32
        %get3A_318 = arith.index_cast %mul3A_317 : i32 to index
        %get3A_319 = tpu.vector_load %arg9[%get3A_318] {strides = array<i32>} : memref<8192xf32, #tpu.memory_space<vmem>>, vector<16xf32>,
        %get3A_320 = vector.shape_cast %get3A_319 : vector<16xf32> to vector<16xf32>
        %mul3A_321 = arith.constant 16 : i32
        %mul3A_322 = arith.muli %add3A_310, %mul3A_321 : i32
        %get3A_323 = arith.index_cast %mul3A_322 : i32 to index
        %get3A_324 = tpu.vector_load %arg11[%get3A_323] {strides = array<i32>} : memref<8192xf32, #tpu.memory_space<vmem>>, vector<16xf32>,
        %get3A_325 = vector.shape_cast %get3A_324 : vector<16xf32> to vector<16xf32>
        %sub3A_326 = arith.subf %get3A_315, %get3A_320 : vector<16xf32>
        %mul3A_327 = arith.constant 1.000000e+05 : f32
        %mul3A_328 = vector.broadcast %mul3A_327 : f32 to vector<16xf32>
        %mul3A_329 = arith.mulf %get3A_325, %mul3A_328 : vector<16xf32>
        %convert_element_type3A_330 = arith.fptosi %mul3A_329 : vector<16xf32> to vector<16xi32>
        %min3A_331 = arith.constant 99999 : i32
        %min3A_332 = vector.broadcast %min3A_331 : i32 to vector<16xi32>
        %min3A_333 = arith.minsi %convert_element_type3A_330, %min3A_332 : vector<16xi32>
        %mul3A_334 = arith.constant 16 : i32
        %mul3A_335 = arith.muli %add3A_310, %mul3A_334 : i32
        %swap3A_336 = arith.index_cast %mul3A_335 : i32 to index
        %swap3A_337 = tpu.vector_load %arg13[%swap3A_336] {strides = array<i32>} : memref<8192xf32, #tpu.memory_space<vmem>>, vector<16xf32>,
        %swap3A_338 = vector.shape_cast %swap3A_337 : vector<16xf32> to vector<16xf32>
        %swap3A_339 = vector.shape_cast %sub3A_326 : vector<16xf32> to vector<16xf32>
        tpu.vector_store %arg13[%swap3A_336], %swap3A_339 {strides = array<i32>} : memref<8192xf32, #tpu.memory_space<vmem>>, vector<16xf32>,
        %mul3A_340 = arith.constant 16 : i32
        %mul3A_341 = arith.muli %add3A_310, %mul3A_340 : i32
        %swap3A_342 = arith.index_cast %mul3A_341 : i32 to index
        %swap3A_343 = tpu.vector_load %arg15[%swap3A_342] {strides = array<i32>} : memref<8192xi32, #tpu.memory_space<vmem>>, vector<16xi32>,
        %swap3A_344 = vector.shape_cast %swap3A_343 : vector<16xi32> to vector<16xi32>
        %swap3A_345 = vector.shape_cast %min3A_333 : vector<16xi32> to vector<16xi32>
        tpu.vector_store %arg15[%swap3A_342], %swap3A_345 {strides = array<i32>} : memref<8192xi32, #tpu.memory_space<vmem>>, vector<16xi32>,
        %scan3A_346 = arith.constant 6 : i32
        %scan3A_347 = arith.addi %scan3A_105, %scan3A_346 : i32
        %mul3A_348 = arith.constant 1 : i32
        %mul3A_349 = arith.muli %scan3A_347, %mul3A_348 : i32
        %add3A_350 = arith.constant 0 : i32
        %add3A_351 = arith.addi %add3A_350, %mul3A_349 : i32
        %mul3A_352 = arith.constant 16 : i32
        %mul3A_353 = arith.muli %add3A_351, %mul3A_352 : i32
        %get3A_354 = arith.index_cast %mul3A_353 : i32 to index
        %get3A_355 = tpu.vector_load %arg7[%get3A_354] {strides = array<i32>} : memref<8192xf32, #tpu.memory_space<vmem>>, vector<16xf32>,
        %get3A_356 = vector.shape_cast %get3A_355 : vector<16xf32> to vector<16xf32>
        %mul3A_357 = arith.constant 16 : i32
        %mul3A_358 = arith.muli %add3A_351, %mul3A_357 : i32
        %get3A_359 = arith.index_cast %mul3A_358 : i32 to index
        %get3A_360 = tpu.vector_load %arg9[%get3A_359] {strides = array<i32>} : memref<8192xf32, #tpu.memory_space<vmem>>, vector<16xf32>,
        %get3A_361 = vector.shape_cast %get3A_360 : vector<16xf32> to vector<16xf32>
        %mul3A_362 = arith.constant 16 : i32
        %mul3A_363 = arith.muli %add3A_351, %mul3A_362 : i32
        %get3A_364 = arith.index_cast %mul3A_363 : i32 to index
        %get3A_365 = tpu.vector_load %arg11[%get3A_364] {strides = array<i32>} : memref<8192xf32, #tpu.memory_space<vmem>>, vector<16xf32>,
        %get3A_366 = vector.shape_cast %get3A_365 : vector<16xf32> to vector<16xf32>
        %sub3A_367 = arith.subf %get3A_356, %get3A_361 : vector<16xf32>
        %mul3A_368 = arith.constant 1.000000e+05 : f32
        %mul3A_369 = vector.broadcast %mul3A_368 : f32 to vector<16xf32>
        %mul3A_370 = arith.mulf %get3A_366, %mul3A_369 : vector<16xf32>
        %convert_element_type3A_371 = arith.fptosi %mul3A_370 : vector<16xf32> to vector<16xi32>
        %min3A_372 = arith.constant 99999 : i32
        %min3A_373 = vector.broadcast %min3A_372 : i32 to vector<16xi32>
        %min3A_374 = arith.minsi %convert_element_type3A_371, %min3A_373 : vector<16xi32>
        %mul3A_375 = arith.constant 16 : i32
        %mul3A_376 = arith.muli %add3A_351, %mul3A_375 : i32
        %swap3A_377 = arith.index_cast %mul3A_376 : i32 to index
        %swap3A_378 = tpu.vector_load %arg13[%swap3A_377] {strides = array<i32>} : memref<8192xf32, #tpu.memory_space<vmem>>, vector<16xf32>,
        %swap3A_379 = vector.shape_cast %swap3A_378 : vector<16xf32> to vector<16xf32>
        %swap3A_380 = vector.shape_cast %sub3A_367 : vector<16xf32> to vector<16xf32>
        tpu.vector_store %arg13[%swap3A_377], %swap3A_380 {strides = array<i32>} : memref<8192xf32, #tpu.memory_space<vmem>>, vector<16xf32>,
        %mul3A_381 = arith.constant 16 : i32
        %mul3A_382 = arith.muli %add3A_351, %mul3A_381 : i32
        %swap3A_383 = arith.index_cast %mul3A_382 : i32 to index
        %swap3A_384 = tpu.vector_load %arg15[%swap3A_383] {strides = array<i32>} : memref<8192xi32, #tpu.memory_space<vmem>>, vector<16xi32>,
        %swap3A_385 = vector.shape_cast %swap3A_384 : vector<16xi32> to vector<16xi32>
        %swap3A_386 = vector.shape_cast %min3A_374 : vector<16xi32> to vector<16xi32>
        tpu.vector_store %arg15[%swap3A_383], %swap3A_386 {strides = array<i32>} : memref<8192xi32, #tpu.memory_space<vmem>>, vector<16xi32>,
        %scan3A_387 = arith.constant 7 : i32
        %scan3A_388 = arith.addi %scan3A_105, %scan3A_387 : i32
        %mul3A_389 = arith.constant 1 : i32
        %mul3A_390 = arith.muli %scan3A_388, %mul3A_389 : i32
        %add3A_391 = arith.constant 0 : i32
        %add3A_392 = arith.addi %add3A_391, %mul3A_390 : i32
        %mul3A_393 = arith.constant 16 : i32
        %mul3A_394 = arith.muli %add3A_392, %mul3A_393 : i32
        %get3A_395 = arith.index_cast %mul3A_394 : i32 to index
        %get3A_396 = tpu.vector_load %arg7[%get3A_395] {strides = array<i32>} : memref<8192xf32, #tpu.memory_space<vmem>>, vector<16xf32>,
        %get3A_397 = vector.shape_cast %get3A_396 : vector<16xf32> to vector<16xf32>
        %mul3A_398 = arith.constant 16 : i32
        %mul3A_399 = arith.muli %add3A_392, %mul3A_398 : i32
        %get3A_400 = arith.index_cast %mul3A_399 : i32 to index
        %get3A_401 = tpu.vector_load %arg9[%get3A_400] {strides = array<i32>} : memref<8192xf32, #tpu.memory_space<vmem>>, vector<16xf32>,
        %get3A_402 = vector.shape_cast %get3A_401 : vector<16xf32> to vector<16xf32>
        %mul3A_403 = arith.constant 16 : i32
        %mul3A_404 = arith.muli %add3A_392, %mul3A_403 : i32
        %get3A_405 = arith.index_cast %mul3A_404 : i32 to index
        %get3A_406 = tpu.vector_load %arg11[%get3A_405] {strides = array<i32>} : memref<8192xf32, #tpu.memory_space<vmem>>, vector<16xf32>,
        %get3A_407 = vector.shape_cast %get3A_406 : vector<16xf32> to vector<16xf32>
        %sub3A_408 = arith.subf %get3A_397, %get3A_402 : vector<16xf32>
        %mul3A_409 = arith.constant 1.000000e+05 : f32
        %mul3A_410 = vector.broadcast %mul3A_409 : f32 to vector<16xf32>
        %mul3A_411 = arith.mulf %get3A_407, %mul3A_410 : vector<16xf32>
        %convert_element_type3A_412 = arith.fptosi %mul3A_411 : vector<16xf32> to vector<16xi32>
        %min3A_413 = arith.constant 99999 : i32
        %min3A_414 = vector.broadcast %min3A_413 : i32 to vector<16xi32>
        %min3A_415 = arith.minsi %convert_element_type3A_412, %min3A_414 : vector<16xi32>
        %mul3A_416 = arith.constant 16 : i32
        %mul3A_417 = arith.muli %add3A_392, %mul3A_416 : i32
        %swap3A_418 = arith.index_cast %mul3A_417 : i32 to index
        %swap3A_419 = tpu.vector_load %arg13[%swap3A_418] {strides = array<i32>} : memref<8192xf32, #tpu.memory_space<vmem>>, vector<16xf32>,
        %swap3A_420 = vector.shape_cast %swap3A_419 : vector<16xf32> to vector<16xf32>
        %swap3A_421 = vector.shape_cast %sub3A_408 : vector<16xf32> to vector<16xf32>
        tpu.vector_store %arg13[%swap3A_418], %swap3A_421 {strides = array<i32>} : memref<8192xf32, #tpu.memory_space<vmem>>, vector<16xf32>,
        %mul3A_422 = arith.constant 16 : i32
        %mul3A_423 = arith.muli %add3A_392, %mul3A_422 : i32
        %swap3A_424 = arith.index_cast %mul3A_423 : i32 to index
        %swap3A_425 = tpu.vector_load %arg15[%swap3A_424] {strides = array<i32>} : memref<8192xi32, #tpu.memory_space<vmem>>, vector<16xi32>,
        %swap3A_426 = vector.shape_cast %swap3A_425 : vector<16xi32> to vector<16xi32>
        %swap3A_427 = vector.shape_cast %min3A_415 : vector<16xi32> to vector<16xi32>
        tpu.vector_store %arg15[%swap3A_424], %swap3A_427 {strides = array<i32>} : memref<8192xi32, #tpu.memory_space<vmem>>, vector<16xi32>,
      }
      %scan3A_64 = arith.constant 512 : i32
      %dma_start3A_65 = arith.constant 0 : i32
      %dma_start3A_66 = tpu.memref_slice %arg6[%dma_start3A_65] : memref<100096xf32, #tpu.memory_space<vmem_shared>> -> memref<100096xf32, #tpu.memory_space<vmem_shared>>
      tpu.enqueue_indirect_dma source(%arg13 : memref<8192xf32, #tpu.memory_space<vmem>>) target(%dma_start3A_66 : memref<100096xf32, #tpu.memory_space<vmem_shared>>) offsets(%arg15 : memref<8192xi32, #tpu.memory_space<vmem>>) semaphore(%arg20 : memref<!tpu.dma_semaphore, #tpu.memory_space<semaphore_mem>>) {add = true}
      %add3A_67 = arith.constant 2 : i32
      %add3A_68 = arith.addi %add3A_48, %add3A_67 : i32
      %lt3A = arith.constant 32 : i32
      %lt3A_69 = arith.cmpi slt, %add3A_68, %lt3A : i32
      %convert_element_type3A_70 = arith.extui %lt3A_69 : i1 to i32
      %cond3A_71 = arith.constant 0 : i32
      %cond3A_72 = arith.cmpi ne, %convert_element_type3A_70, %cond3A_71 : i32
      scf.if %cond3A_72 {
        %add3A_105 = arith.constant 2 : i32
        %add3A_106 = arith.addi %add3A_48, %add3A_105 : i32
        %mul3A_107 = arith.constant 8192 : i32
        %mul3A_108 = arith.muli %add3A_106, %mul3A_107 : i32
        %add3A_109 = arith.addi %mul3A_8, %mul3A_108 : i32
        %dma_start3A_110 = tpu.memref_slice %arg2[%add3A_109] : memref<8388608xf32, #tpu.memory_space<hbm>> -> memref<8192xf32, #tpu.memory_space<hbm>>
        %dma_start3A_111 = tpu.memref_slice %arg2[%add3A_109] : memref<8388608xf32, #tpu.memory_space<hbm>> -> memref<8192xf32, #tpu.memory_space<hbm>>
        tpu.enqueue_dma source(%dma_start3A_111 : memref<8192xf32, #tpu.memory_space<hbm>>) target(%arg7 : memref<8192xf32, #tpu.memory_space<vmem>>) target_semaphore(%arg18 : memref<!tpu.dma_semaphore, #tpu.memory_space<semaphore_mem>>)
        %dma_start3A_112 = tpu.memref_slice %arg3[%add3A_109] : memref<8388608xf32, #tpu.memory_space<hbm>> -> memref<8192xf32, #tpu.memory_space<hbm>>
        %dma_start3A_113 = tpu.memref_slice %arg3[%add3A_109] : memref<8388608xf32, #tpu.memory_space<hbm>> -> memref<8192xf32, #tpu.memory_space<hbm>>
        tpu.enqueue_dma source(%dma_start3A_113 : memref<8192xf32, #tpu.memory_space<hbm>>) target(%arg9 : memref<8192xf32, #tpu.memory_space<vmem>>) target_semaphore(%arg18 : memref<!tpu.dma_semaphore, #tpu.memory_space<semaphore_mem>>)
        %dma_start3A_114 = tpu.memref_slice %arg4[%add3A_109] : memref<8388608xf32, #tpu.memory_space<hbm>> -> memref<8192xf32, #tpu.memory_space<hbm>>
        %dma_start3A_115 = tpu.memref_slice %arg4[%add3A_109] : memref<8388608xf32, #tpu.memory_space<hbm>> -> memref<8192xf32, #tpu.memory_space<hbm>>
        tpu.enqueue_dma source(%dma_start3A_115 : memref<8192xf32, #tpu.memory_space<hbm>>) target(%arg11 : memref<8192xf32, #tpu.memory_space<vmem>>) target_semaphore(%arg18 : memref<!tpu.dma_semaphore, #tpu.memory_space<semaphore_mem>>)
      } else {
      }
      %mul3A_73 = arith.constant 2 : i32
      %mul3A_74 = arith.muli %add3A_44, %mul3A_73 : i32
      %add3A_75 = arith.constant 1 : i32
      %add3A_76 = arith.addi %mul3A_74, %add3A_75 : i32
      %mul3A_77 = arith.constant 8192 : i32
      %mul3A_78 = arith.muli %add3A_76, %mul3A_77 : i32
      %add3A_79 = arith.addi %mul3A_8, %mul3A_78 : i32
      %dma_wait3A_80 = tpu.memref_slice %arg2[%add3A_79] : memref<8388608xf32, #tpu.memory_space<hbm>> -> memref<8192xf32, #tpu.memory_space<hbm>>
      %dma_wait3A_81 = tpu.memref_slice %arg2[%add3A_79] : memref<8388608xf32, #tpu.memory_space<hbm>> -> memref<8192xf32, #tpu.memory_space<hbm>>
      tpu.wait_dma2 semaphore(%arg19 : memref<!tpu.dma_semaphore, #tpu.memory_space<semaphore_mem>>) src(%dma_wait3A_81 : memref<8192xf32, #tpu.memory_space<hbm>>) dst(%arg8 : memref<8192xf32, #tpu.memory_space<vmem>>)
      %dma_wait3A_82 = tpu.memref_slice %arg3[%add3A_79] : memref<8388608xf32, #tpu.memory_space<hbm>> -> memref<8192xf32, #tpu.memory_space<hbm>>
      %dma_wait3A_83 = tpu.memref_slice %arg3[%add3A_79] : memref<8388608xf32, #tpu.memory_space<hbm>> -> memref<8192xf32, #tpu.memory_space<hbm>>
      tpu.wait_dma2 semaphore(%arg19 : memref<!tpu.dma_semaphore, #tpu.memory_space<semaphore_mem>>) src(%dma_wait3A_83 : memref<8192xf32, #tpu.memory_space<hbm>>) dst(%arg10 : memref<8192xf32, #tpu.memory_space<vmem>>)
      %dma_wait3A_84 = tpu.memref_slice %arg4[%add3A_79] : memref<8388608xf32, #tpu.memory_space<hbm>> -> memref<8192xf32, #tpu.memory_space<hbm>>
      %dma_wait3A_85 = tpu.memref_slice %arg4[%add3A_79] : memref<8388608xf32, #tpu.memory_space<hbm>> -> memref<8192xf32, #tpu.memory_space<hbm>>
      tpu.wait_dma2 semaphore(%arg19 : memref<!tpu.dma_semaphore, #tpu.memory_space<semaphore_mem>>) src(%dma_wait3A_85 : memref<8192xf32, #tpu.memory_space<hbm>>) dst(%arg12 : memref<8192xf32, #tpu.memory_space<vmem>>)
      %ge3A_86 = arith.constant 2 : i32
      %ge3A_87 = arith.cmpi sge, %add3A_76, %ge3A_86 : i32
      %convert_element_type3A_88 = arith.extui %ge3A_87 : i1 to i32
      %cond3A_89 = arith.constant 0 : i32
      %cond3A_90 = arith.cmpi ne, %convert_element_type3A_88, %cond3A_89 : i32
      scf.if %cond3A_90 {
        %dma_wait3A_105 = arith.constant 0 : i32
        %dma_wait3A_106 = tpu.memref_slice %arg6[%dma_wait3A_105] : memref<100096xf32, #tpu.memory_space<vmem_shared>> -> memref<100096xf32, #tpu.memory_space<vmem_shared>>
        tpu.wait_indirect_dma semaphore(%arg21 : memref<!tpu.dma_semaphore, #tpu.memory_space<semaphore_mem>>) src(%arg14 : memref<8192xf32, #tpu.memory_space<vmem>>) dst(%dma_wait3A_106 : memref<100096xf32, #tpu.memory_space<vmem_shared>>)
      } else {
      }
      %scan3A_91 = arith.constant 0 : i32
      %scan3A_92 = arith.constant 512 : i32
      %scan3A_93 = arith.addi %scan3A_91, %scan3A_92 : i32
      %scan3A_94 = arith.constant 8 : i32
      scf.for %scan3A_105 = %scan3A_91 to %scan3A_93 step %scan3A_94  : i32 {
        %mul3A_106 = arith.constant 1 : i32
        %mul3A_107 = arith.muli %scan3A_105, %mul3A_106 : i32
        %add3A_108 = arith.constant 0 : i32
        %add3A_109 = arith.addi %add3A_108, %mul3A_107 : i32
        %mul3A_110 = arith.constant 16 : i32
        %mul3A_111 = arith.muli %add3A_109, %mul3A_110 : i32
        %get3A = arith.index_cast %mul3A_111 : i32 to index
        %get3A_112 = tpu.vector_load %arg8[%get3A] {strides = array<i32>} : memref<8192xf32, #tpu.memory_space<vmem>>, vector<16xf32>,
        %get3A_113 = vector.shape_cast %get3A_112 : vector<16xf32> to vector<16xf32>
        %mul3A_114 = arith.constant 16 : i32
        %mul3A_115 = arith.muli %add3A_109, %mul3A_114 : i32
        %get3A_116 = arith.index_cast %mul3A_115 : i32 to index
        %get3A_117 = tpu.vector_load %arg10[%get3A_116] {strides = array<i32>} : memref<8192xf32, #tpu.memory_space<vmem>>, vector<16xf32>,
        %get3A_118 = vector.shape_cast %get3A_117 : vector<16xf32> to vector<16xf32>
        %mul3A_119 = arith.constant 16 : i32
        %mul3A_120 = arith.muli %add3A_109, %mul3A_119 : i32
        %get3A_121 = arith.index_cast %mul3A_120 : i32 to index
        %get3A_122 = tpu.vector_load %arg12[%get3A_121] {strides = array<i32>} : memref<8192xf32, #tpu.memory_space<vmem>>, vector<16xf32>,
        %get3A_123 = vector.shape_cast %get3A_122 : vector<16xf32> to vector<16xf32>
        %sub3A = arith.subf %get3A_113, %get3A_118 : vector<16xf32>
        %mul3A_124 = arith.constant 1.000000e+05 : f32
        %mul3A_125 = vector.broadcast %mul3A_124 : f32 to vector<16xf32>
        %mul3A_126 = arith.mulf %get3A_123, %mul3A_125 : vector<16xf32>
        %convert_element_type3A_127 = arith.fptosi %mul3A_126 : vector<16xf32> to vector<16xi32>
        %min3A = arith.constant 99999 : i32
        %min3A_128 = vector.broadcast %min3A : i32 to vector<16xi32>
        %min3A_129 = arith.minsi %convert_element_type3A_127, %min3A_128 : vector<16xi32>
        %mul3A_130 = arith.constant 16 : i32
        %mul3A_131 = arith.muli %add3A_109, %mul3A_130 : i32
        %swap3A = arith.index_cast %mul3A_131 : i32 to index
        %swap3A_132 = tpu.vector_load %arg14[%swap3A] {strides = array<i32>} : memref<8192xf32, #tpu.memory_space<vmem>>, vector<16xf32>,
        %swap3A_133 = vector.shape_cast %swap3A_132 : vector<16xf32> to vector<16xf32>
        %swap3A_134 = vector.shape_cast %sub3A : vector<16xf32> to vector<16xf32>
        tpu.vector_store %arg14[%swap3A], %swap3A_134 {strides = array<i32>} : memref<8192xf32, #tpu.memory_space<vmem>>, vector<16xf32>,
        %mul3A_135 = arith.constant 16 : i32
        %mul3A_136 = arith.muli %add3A_109, %mul3A_135 : i32
        %swap3A_137 = arith.index_cast %mul3A_136 : i32 to index
        %swap3A_138 = tpu.vector_load %arg16[%swap3A_137] {strides = array<i32>} : memref<8192xi32, #tpu.memory_space<vmem>>, vector<16xi32>,
        %swap3A_139 = vector.shape_cast %swap3A_138 : vector<16xi32> to vector<16xi32>
        %swap3A_140 = vector.shape_cast %min3A_129 : vector<16xi32> to vector<16xi32>
        tpu.vector_store %arg16[%swap3A_137], %swap3A_140 {strides = array<i32>} : memref<8192xi32, #tpu.memory_space<vmem>>, vector<16xi32>,
        %scan3A_141 = arith.constant 1 : i32
        %scan3A_142 = arith.addi %scan3A_105, %scan3A_141 : i32
        %mul3A_143 = arith.constant 1 : i32
        %mul3A_144 = arith.muli %scan3A_142, %mul3A_143 : i32
        %add3A_145 = arith.constant 0 : i32
        %add3A_146 = arith.addi %add3A_145, %mul3A_144 : i32
        %mul3A_147 = arith.constant 16 : i32
        %mul3A_148 = arith.muli %add3A_146, %mul3A_147 : i32
        %get3A_149 = arith.index_cast %mul3A_148 : i32 to index
        %get3A_150 = tpu.vector_load %arg8[%get3A_149] {strides = array<i32>} : memref<8192xf32, #tpu.memory_space<vmem>>, vector<16xf32>,
        %get3A_151 = vector.shape_cast %get3A_150 : vector<16xf32> to vector<16xf32>
        %mul3A_152 = arith.constant 16 : i32
        %mul3A_153 = arith.muli %add3A_146, %mul3A_152 : i32
        %get3A_154 = arith.index_cast %mul3A_153 : i32 to index
        %get3A_155 = tpu.vector_load %arg10[%get3A_154] {strides = array<i32>} : memref<8192xf32, #tpu.memory_space<vmem>>, vector<16xf32>,
        %get3A_156 = vector.shape_cast %get3A_155 : vector<16xf32> to vector<16xf32>
        %mul3A_157 = arith.constant 16 : i32
        %mul3A_158 = arith.muli %add3A_146, %mul3A_157 : i32
        %get3A_159 = arith.index_cast %mul3A_158 : i32 to index
        %get3A_160 = tpu.vector_load %arg12[%get3A_159] {strides = array<i32>} : memref<8192xf32, #tpu.memory_space<vmem>>, vector<16xf32>,
        %get3A_161 = vector.shape_cast %get3A_160 : vector<16xf32> to vector<16xf32>
        %sub3A_162 = arith.subf %get3A_151, %get3A_156 : vector<16xf32>
        %mul3A_163 = arith.constant 1.000000e+05 : f32
        %mul3A_164 = vector.broadcast %mul3A_163 : f32 to vector<16xf32>
        %mul3A_165 = arith.mulf %get3A_161, %mul3A_164 : vector<16xf32>
        %convert_element_type3A_166 = arith.fptosi %mul3A_165 : vector<16xf32> to vector<16xi32>
        %min3A_167 = arith.constant 99999 : i32
        %min3A_168 = vector.broadcast %min3A_167 : i32 to vector<16xi32>
        %min3A_169 = arith.minsi %convert_element_type3A_166, %min3A_168 : vector<16xi32>
        %mul3A_170 = arith.constant 16 : i32
        %mul3A_171 = arith.muli %add3A_146, %mul3A_170 : i32
        %swap3A_172 = arith.index_cast %mul3A_171 : i32 to index
        %swap3A_173 = tpu.vector_load %arg14[%swap3A_172] {strides = array<i32>} : memref<8192xf32, #tpu.memory_space<vmem>>, vector<16xf32>,
        %swap3A_174 = vector.shape_cast %swap3A_173 : vector<16xf32> to vector<16xf32>
        %swap3A_175 = vector.shape_cast %sub3A_162 : vector<16xf32> to vector<16xf32>
        tpu.vector_store %arg14[%swap3A_172], %swap3A_175 {strides = array<i32>} : memref<8192xf32, #tpu.memory_space<vmem>>, vector<16xf32>,
        %mul3A_176 = arith.constant 16 : i32
        %mul3A_177 = arith.muli %add3A_146, %mul3A_176 : i32
        %swap3A_178 = arith.index_cast %mul3A_177 : i32 to index
        %swap3A_179 = tpu.vector_load %arg16[%swap3A_178] {strides = array<i32>} : memref<8192xi32, #tpu.memory_space<vmem>>, vector<16xi32>,
        %swap3A_180 = vector.shape_cast %swap3A_179 : vector<16xi32> to vector<16xi32>
        %swap3A_181 = vector.shape_cast %min3A_169 : vector<16xi32> to vector<16xi32>
        tpu.vector_store %arg16[%swap3A_178], %swap3A_181 {strides = array<i32>} : memref<8192xi32, #tpu.memory_space<vmem>>, vector<16xi32>,
        %scan3A_182 = arith.constant 2 : i32
        %scan3A_183 = arith.addi %scan3A_105, %scan3A_182 : i32
        %mul3A_184 = arith.constant 1 : i32
        %mul3A_185 = arith.muli %scan3A_183, %mul3A_184 : i32
        %add3A_186 = arith.constant 0 : i32
        %add3A_187 = arith.addi %add3A_186, %mul3A_185 : i32
        %mul3A_188 = arith.constant 16 : i32
        %mul3A_189 = arith.muli %add3A_187, %mul3A_188 : i32
        %get3A_190 = arith.index_cast %mul3A_189 : i32 to index
        %get3A_191 = tpu.vector_load %arg8[%get3A_190] {strides = array<i32>} : memref<8192xf32, #tpu.memory_space<vmem>>, vector<16xf32>,
        %get3A_192 = vector.shape_cast %get3A_191 : vector<16xf32> to vector<16xf32>
        %mul3A_193 = arith.constant 16 : i32
        %mul3A_194 = arith.muli %add3A_187, %mul3A_193 : i32
        %get3A_195 = arith.index_cast %mul3A_194 : i32 to index
        %get3A_196 = tpu.vector_load %arg10[%get3A_195] {strides = array<i32>} : memref<8192xf32, #tpu.memory_space<vmem>>, vector<16xf32>,
        %get3A_197 = vector.shape_cast %get3A_196 : vector<16xf32> to vector<16xf32>
        %mul3A_198 = arith.constant 16 : i32
        %mul3A_199 = arith.muli %add3A_187, %mul3A_198 : i32
        %get3A_200 = arith.index_cast %mul3A_199 : i32 to index
        %get3A_201 = tpu.vector_load %arg12[%get3A_200] {strides = array<i32>} : memref<8192xf32, #tpu.memory_space<vmem>>, vector<16xf32>,
        %get3A_202 = vector.shape_cast %get3A_201 : vector<16xf32> to vector<16xf32>
        %sub3A_203 = arith.subf %get3A_192, %get3A_197 : vector<16xf32>
        %mul3A_204 = arith.constant 1.000000e+05 : f32
        %mul3A_205 = vector.broadcast %mul3A_204 : f32 to vector<16xf32>
        %mul3A_206 = arith.mulf %get3A_202, %mul3A_205 : vector<16xf32>
        %convert_element_type3A_207 = arith.fptosi %mul3A_206 : vector<16xf32> to vector<16xi32>
        %min3A_208 = arith.constant 99999 : i32
        %min3A_209 = vector.broadcast %min3A_208 : i32 to vector<16xi32>
        %min3A_210 = arith.minsi %convert_element_type3A_207, %min3A_209 : vector<16xi32>
        %mul3A_211 = arith.constant 16 : i32
        %mul3A_212 = arith.muli %add3A_187, %mul3A_211 : i32
        %swap3A_213 = arith.index_cast %mul3A_212 : i32 to index
        %swap3A_214 = tpu.vector_load %arg14[%swap3A_213] {strides = array<i32>} : memref<8192xf32, #tpu.memory_space<vmem>>, vector<16xf32>,
        %swap3A_215 = vector.shape_cast %swap3A_214 : vector<16xf32> to vector<16xf32>
        %swap3A_216 = vector.shape_cast %sub3A_203 : vector<16xf32> to vector<16xf32>
        tpu.vector_store %arg14[%swap3A_213], %swap3A_216 {strides = array<i32>} : memref<8192xf32, #tpu.memory_space<vmem>>, vector<16xf32>,
        %mul3A_217 = arith.constant 16 : i32
        %mul3A_218 = arith.muli %add3A_187, %mul3A_217 : i32
        %swap3A_219 = arith.index_cast %mul3A_218 : i32 to index
        %swap3A_220 = tpu.vector_load %arg16[%swap3A_219] {strides = array<i32>} : memref<8192xi32, #tpu.memory_space<vmem>>, vector<16xi32>,
        %swap3A_221 = vector.shape_cast %swap3A_220 : vector<16xi32> to vector<16xi32>
        %swap3A_222 = vector.shape_cast %min3A_210 : vector<16xi32> to vector<16xi32>
        tpu.vector_store %arg16[%swap3A_219], %swap3A_222 {strides = array<i32>} : memref<8192xi32, #tpu.memory_space<vmem>>, vector<16xi32>,
        %scan3A_223 = arith.constant 3 : i32
        %scan3A_224 = arith.addi %scan3A_105, %scan3A_223 : i32
        %mul3A_225 = arith.constant 1 : i32
        %mul3A_226 = arith.muli %scan3A_224, %mul3A_225 : i32
        %add3A_227 = arith.constant 0 : i32
        %add3A_228 = arith.addi %add3A_227, %mul3A_226 : i32
        %mul3A_229 = arith.constant 16 : i32
        %mul3A_230 = arith.muli %add3A_228, %mul3A_229 : i32
        %get3A_231 = arith.index_cast %mul3A_230 : i32 to index
        %get3A_232 = tpu.vector_load %arg8[%get3A_231] {strides = array<i32>} : memref<8192xf32, #tpu.memory_space<vmem>>, vector<16xf32>,
        %get3A_233 = vector.shape_cast %get3A_232 : vector<16xf32> to vector<16xf32>
        %mul3A_234 = arith.constant 16 : i32
        %mul3A_235 = arith.muli %add3A_228, %mul3A_234 : i32
        %get3A_236 = arith.index_cast %mul3A_235 : i32 to index
        %get3A_237 = tpu.vector_load %arg10[%get3A_236] {strides = array<i32>} : memref<8192xf32, #tpu.memory_space<vmem>>, vector<16xf32>,
        %get3A_238 = vector.shape_cast %get3A_237 : vector<16xf32> to vector<16xf32>
        %mul3A_239 = arith.constant 16 : i32
        %mul3A_240 = arith.muli %add3A_228, %mul3A_239 : i32
        %get3A_241 = arith.index_cast %mul3A_240 : i32 to index
        %get3A_242 = tpu.vector_load %arg12[%get3A_241] {strides = array<i32>} : memref<8192xf32, #tpu.memory_space<vmem>>, vector<16xf32>,
        %get3A_243 = vector.shape_cast %get3A_242 : vector<16xf32> to vector<16xf32>
        %sub3A_244 = arith.subf %get3A_233, %get3A_238 : vector<16xf32>
        %mul3A_245 = arith.constant 1.000000e+05 : f32
        %mul3A_246 = vector.broadcast %mul3A_245 : f32 to vector<16xf32>
        %mul3A_247 = arith.mulf %get3A_243, %mul3A_246 : vector<16xf32>
        %convert_element_type3A_248 = arith.fptosi %mul3A_247 : vector<16xf32> to vector<16xi32>
        %min3A_249 = arith.constant 99999 : i32
        %min3A_250 = vector.broadcast %min3A_249 : i32 to vector<16xi32>
        %min3A_251 = arith.minsi %convert_element_type3A_248, %min3A_250 : vector<16xi32>
        %mul3A_252 = arith.constant 16 : i32
        %mul3A_253 = arith.muli %add3A_228, %mul3A_252 : i32
        %swap3A_254 = arith.index_cast %mul3A_253 : i32 to index
        %swap3A_255 = tpu.vector_load %arg14[%swap3A_254] {strides = array<i32>} : memref<8192xf32, #tpu.memory_space<vmem>>, vector<16xf32>,
        %swap3A_256 = vector.shape_cast %swap3A_255 : vector<16xf32> to vector<16xf32>
        %swap3A_257 = vector.shape_cast %sub3A_244 : vector<16xf32> to vector<16xf32>
        tpu.vector_store %arg14[%swap3A_254], %swap3A_257 {strides = array<i32>} : memref<8192xf32, #tpu.memory_space<vmem>>, vector<16xf32>,
        %mul3A_258 = arith.constant 16 : i32
        %mul3A_259 = arith.muli %add3A_228, %mul3A_258 : i32
        %swap3A_260 = arith.index_cast %mul3A_259 : i32 to index
        %swap3A_261 = tpu.vector_load %arg16[%swap3A_260] {strides = array<i32>} : memref<8192xi32, #tpu.memory_space<vmem>>, vector<16xi32>,
        %swap3A_262 = vector.shape_cast %swap3A_261 : vector<16xi32> to vector<16xi32>
        %swap3A_263 = vector.shape_cast %min3A_251 : vector<16xi32> to vector<16xi32>
        tpu.vector_store %arg16[%swap3A_260], %swap3A_263 {strides = array<i32>} : memref<8192xi32, #tpu.memory_space<vmem>>, vector<16xi32>,
        %scan3A_264 = arith.constant 4 : i32
        %scan3A_265 = arith.addi %scan3A_105, %scan3A_264 : i32
        %mul3A_266 = arith.constant 1 : i32
        %mul3A_267 = arith.muli %scan3A_265, %mul3A_266 : i32
        %add3A_268 = arith.constant 0 : i32
        %add3A_269 = arith.addi %add3A_268, %mul3A_267 : i32
        %mul3A_270 = arith.constant 16 : i32
        %mul3A_271 = arith.muli %add3A_269, %mul3A_270 : i32
        %get3A_272 = arith.index_cast %mul3A_271 : i32 to index
        %get3A_273 = tpu.vector_load %arg8[%get3A_272] {strides = array<i32>} : memref<8192xf32, #tpu.memory_space<vmem>>, vector<16xf32>,
        %get3A_274 = vector.shape_cast %get3A_273 : vector<16xf32> to vector<16xf32>
        %mul3A_275 = arith.constant 16 : i32
        %mul3A_276 = arith.muli %add3A_269, %mul3A_275 : i32
        %get3A_277 = arith.index_cast %mul3A_276 : i32 to index
        %get3A_278 = tpu.vector_load %arg10[%get3A_277] {strides = array<i32>} : memref<8192xf32, #tpu.memory_space<vmem>>, vector<16xf32>,
        %get3A_279 = vector.shape_cast %get3A_278 : vector<16xf32> to vector<16xf32>
        %mul3A_280 = arith.constant 16 : i32
        %mul3A_281 = arith.muli %add3A_269, %mul3A_280 : i32
        %get3A_282 = arith.index_cast %mul3A_281 : i32 to index
        %get3A_283 = tpu.vector_load %arg12[%get3A_282] {strides = array<i32>} : memref<8192xf32, #tpu.memory_space<vmem>>, vector<16xf32>,
        %get3A_284 = vector.shape_cast %get3A_283 : vector<16xf32> to vector<16xf32>
        %sub3A_285 = arith.subf %get3A_274, %get3A_279 : vector<16xf32>
        %mul3A_286 = arith.constant 1.000000e+05 : f32
        %mul3A_287 = vector.broadcast %mul3A_286 : f32 to vector<16xf32>
        %mul3A_288 = arith.mulf %get3A_284, %mul3A_287 : vector<16xf32>
        %convert_element_type3A_289 = arith.fptosi %mul3A_288 : vector<16xf32> to vector<16xi32>
        %min3A_290 = arith.constant 99999 : i32
        %min3A_291 = vector.broadcast %min3A_290 : i32 to vector<16xi32>
        %min3A_292 = arith.minsi %convert_element_type3A_289, %min3A_291 : vector<16xi32>
        %mul3A_293 = arith.constant 16 : i32
        %mul3A_294 = arith.muli %add3A_269, %mul3A_293 : i32
        %swap3A_295 = arith.index_cast %mul3A_294 : i32 to index
        %swap3A_296 = tpu.vector_load %arg14[%swap3A_295] {strides = array<i32>} : memref<8192xf32, #tpu.memory_space<vmem>>, vector<16xf32>,
        %swap3A_297 = vector.shape_cast %swap3A_296 : vector<16xf32> to vector<16xf32>
        %swap3A_298 = vector.shape_cast %sub3A_285 : vector<16xf32> to vector<16xf32>
        tpu.vector_store %arg14[%swap3A_295], %swap3A_298 {strides = array<i32>} : memref<8192xf32, #tpu.memory_space<vmem>>, vector<16xf32>,
        %mul3A_299 = arith.constant 16 : i32
        %mul3A_300 = arith.muli %add3A_269, %mul3A_299 : i32
        %swap3A_301 = arith.index_cast %mul3A_300 : i32 to index
        %swap3A_302 = tpu.vector_load %arg16[%swap3A_301] {strides = array<i32>} : memref<8192xi32, #tpu.memory_space<vmem>>, vector<16xi32>,
        %swap3A_303 = vector.shape_cast %swap3A_302 : vector<16xi32> to vector<16xi32>
        %swap3A_304 = vector.shape_cast %min3A_292 : vector<16xi32> to vector<16xi32>
        tpu.vector_store %arg16[%swap3A_301], %swap3A_304 {strides = array<i32>} : memref<8192xi32, #tpu.memory_space<vmem>>, vector<16xi32>,
        %scan3A_305 = arith.constant 5 : i32
        %scan3A_306 = arith.addi %scan3A_105, %scan3A_305 : i32
        %mul3A_307 = arith.constant 1 : i32
        %mul3A_308 = arith.muli %scan3A_306, %mul3A_307 : i32
        %add3A_309 = arith.constant 0 : i32
        %add3A_310 = arith.addi %add3A_309, %mul3A_308 : i32
        %mul3A_311 = arith.constant 16 : i32
        %mul3A_312 = arith.muli %add3A_310, %mul3A_311 : i32
        %get3A_313 = arith.index_cast %mul3A_312 : i32 to index
        %get3A_314 = tpu.vector_load %arg8[%get3A_313] {strides = array<i32>} : memref<8192xf32, #tpu.memory_space<vmem>>, vector<16xf32>,
        %get3A_315 = vector.shape_cast %get3A_314 : vector<16xf32> to vector<16xf32>
        %mul3A_316 = arith.constant 16 : i32
        %mul3A_317 = arith.muli %add3A_310, %mul3A_316 : i32
        %get3A_318 = arith.index_cast %mul3A_317 : i32 to index
        %get3A_319 = tpu.vector_load %arg10[%get3A_318] {strides = array<i32>} : memref<8192xf32, #tpu.memory_space<vmem>>, vector<16xf32>,
        %get3A_320 = vector.shape_cast %get3A_319 : vector<16xf32> to vector<16xf32>
        %mul3A_321 = arith.constant 16 : i32
        %mul3A_322 = arith.muli %add3A_310, %mul3A_321 : i32
        %get3A_323 = arith.index_cast %mul3A_322 : i32 to index
        %get3A_324 = tpu.vector_load %arg12[%get3A_323] {strides = array<i32>} : memref<8192xf32, #tpu.memory_space<vmem>>, vector<16xf32>,
        %get3A_325 = vector.shape_cast %get3A_324 : vector<16xf32> to vector<16xf32>
        %sub3A_326 = arith.subf %get3A_315, %get3A_320 : vector<16xf32>
        %mul3A_327 = arith.constant 1.000000e+05 : f32
        %mul3A_328 = vector.broadcast %mul3A_327 : f32 to vector<16xf32>
        %mul3A_329 = arith.mulf %get3A_325, %mul3A_328 : vector<16xf32>
        %convert_element_type3A_330 = arith.fptosi %mul3A_329 : vector<16xf32> to vector<16xi32>
        %min3A_331 = arith.constant 99999 : i32
        %min3A_332 = vector.broadcast %min3A_331 : i32 to vector<16xi32>
        %min3A_333 = arith.minsi %convert_element_type3A_330, %min3A_332 : vector<16xi32>
        %mul3A_334 = arith.constant 16 : i32
        %mul3A_335 = arith.muli %add3A_310, %mul3A_334 : i32
        %swap3A_336 = arith.index_cast %mul3A_335 : i32 to index
        %swap3A_337 = tpu.vector_load %arg14[%swap3A_336] {strides = array<i32>} : memref<8192xf32, #tpu.memory_space<vmem>>, vector<16xf32>,
        %swap3A_338 = vector.shape_cast %swap3A_337 : vector<16xf32> to vector<16xf32>
        %swap3A_339 = vector.shape_cast %sub3A_326 : vector<16xf32> to vector<16xf32>
        tpu.vector_store %arg14[%swap3A_336], %swap3A_339 {strides = array<i32>} : memref<8192xf32, #tpu.memory_space<vmem>>, vector<16xf32>,
        %mul3A_340 = arith.constant 16 : i32
        %mul3A_341 = arith.muli %add3A_310, %mul3A_340 : i32
        %swap3A_342 = arith.index_cast %mul3A_341 : i32 to index
        %swap3A_343 = tpu.vector_load %arg16[%swap3A_342] {strides = array<i32>} : memref<8192xi32, #tpu.memory_space<vmem>>, vector<16xi32>,
        %swap3A_344 = vector.shape_cast %swap3A_343 : vector<16xi32> to vector<16xi32>
        %swap3A_345 = vector.shape_cast %min3A_333 : vector<16xi32> to vector<16xi32>
        tpu.vector_store %arg16[%swap3A_342], %swap3A_345 {strides = array<i32>} : memref<8192xi32, #tpu.memory_space<vmem>>, vector<16xi32>,
        %scan3A_346 = arith.constant 6 : i32
        %scan3A_347 = arith.addi %scan3A_105, %scan3A_346 : i32
        %mul3A_348 = arith.constant 1 : i32
        %mul3A_349 = arith.muli %scan3A_347, %mul3A_348 : i32
        %add3A_350 = arith.constant 0 : i32
        %add3A_351 = arith.addi %add3A_350, %mul3A_349 : i32
        %mul3A_352 = arith.constant 16 : i32
        %mul3A_353 = arith.muli %add3A_351, %mul3A_352 : i32
        %get3A_354 = arith.index_cast %mul3A_353 : i32 to index
        %get3A_355 = tpu.vector_load %arg8[%get3A_354] {strides = array<i32>} : memref<8192xf32, #tpu.memory_space<vmem>>, vector<16xf32>,
        %get3A_356 = vector.shape_cast %get3A_355 : vector<16xf32> to vector<16xf32>
        %mul3A_357 = arith.constant 16 : i32
        %mul3A_358 = arith.muli %add3A_351, %mul3A_357 : i32
        %get3A_359 = arith.index_cast %mul3A_358 : i32 to index
        %get3A_360 = tpu.vector_load %arg10[%get3A_359] {strides = array<i32>} : memref<8192xf32, #tpu.memory_space<vmem>>, vector<16xf32>,
        %get3A_361 = vector.shape_cast %get3A_360 : vector<16xf32> to vector<16xf32>
        %mul3A_362 = arith.constant 16 : i32
        %mul3A_363 = arith.muli %add3A_351, %mul3A_362 : i32
        %get3A_364 = arith.index_cast %mul3A_363 : i32 to index
        %get3A_365 = tpu.vector_load %arg12[%get3A_364] {strides = array<i32>} : memref<8192xf32, #tpu.memory_space<vmem>>, vector<16xf32>,
        %get3A_366 = vector.shape_cast %get3A_365 : vector<16xf32> to vector<16xf32>
        %sub3A_367 = arith.subf %get3A_356, %get3A_361 : vector<16xf32>
        %mul3A_368 = arith.constant 1.000000e+05 : f32
        %mul3A_369 = vector.broadcast %mul3A_368 : f32 to vector<16xf32>
        %mul3A_370 = arith.mulf %get3A_366, %mul3A_369 : vector<16xf32>
        %convert_element_type3A_371 = arith.fptosi %mul3A_370 : vector<16xf32> to vector<16xi32>
        %min3A_372 = arith.constant 99999 : i32
        %min3A_373 = vector.broadcast %min3A_372 : i32 to vector<16xi32>
        %min3A_374 = arith.minsi %convert_element_type3A_371, %min3A_373 : vector<16xi32>
        %mul3A_375 = arith.constant 16 : i32
        %mul3A_376 = arith.muli %add3A_351, %mul3A_375 : i32
        %swap3A_377 = arith.index_cast %mul3A_376 : i32 to index
        %swap3A_378 = tpu.vector_load %arg14[%swap3A_377] {strides = array<i32>} : memref<8192xf32, #tpu.memory_space<vmem>>, vector<16xf32>,
        %swap3A_379 = vector.shape_cast %swap3A_378 : vector<16xf32> to vector<16xf32>
        %swap3A_380 = vector.shape_cast %sub3A_367 : vector<16xf32> to vector<16xf32>
        tpu.vector_store %arg14[%swap3A_377], %swap3A_380 {strides = array<i32>} : memref<8192xf32, #tpu.memory_space<vmem>>, vector<16xf32>,
        %mul3A_381 = arith.constant 16 : i32
        %mul3A_382 = arith.muli %add3A_351, %mul3A_381 : i32
        %swap3A_383 = arith.index_cast %mul3A_382 : i32 to index
        %swap3A_384 = tpu.vector_load %arg16[%swap3A_383] {strides = array<i32>} : memref<8192xi32, #tpu.memory_space<vmem>>, vector<16xi32>,
        %swap3A_385 = vector.shape_cast %swap3A_384 : vector<16xi32> to vector<16xi32>
        %swap3A_386 = vector.shape_cast %min3A_374 : vector<16xi32> to vector<16xi32>
        tpu.vector_store %arg16[%swap3A_383], %swap3A_386 {strides = array<i32>} : memref<8192xi32, #tpu.memory_space<vmem>>, vector<16xi32>,
        %scan3A_387 = arith.constant 7 : i32
        %scan3A_388 = arith.addi %scan3A_105, %scan3A_387 : i32
        %mul3A_389 = arith.constant 1 : i32
        %mul3A_390 = arith.muli %scan3A_388, %mul3A_389 : i32
        %add3A_391 = arith.constant 0 : i32
        %add3A_392 = arith.addi %add3A_391, %mul3A_390 : i32
        %mul3A_393 = arith.constant 16 : i32
        %mul3A_394 = arith.muli %add3A_392, %mul3A_393 : i32
        %get3A_395 = arith.index_cast %mul3A_394 : i32 to index
        %get3A_396 = tpu.vector_load %arg8[%get3A_395] {strides = array<i32>} : memref<8192xf32, #tpu.memory_space<vmem>>, vector<16xf32>,
        %get3A_397 = vector.shape_cast %get3A_396 : vector<16xf32> to vector<16xf32>
        %mul3A_398 = arith.constant 16 : i32
        %mul3A_399 = arith.muli %add3A_392, %mul3A_398 : i32
        %get3A_400 = arith.index_cast %mul3A_399 : i32 to index
        %get3A_401 = tpu.vector_load %arg10[%get3A_400] {strides = array<i32>} : memref<8192xf32, #tpu.memory_space<vmem>>, vector<16xf32>,
        %get3A_402 = vector.shape_cast %get3A_401 : vector<16xf32> to vector<16xf32>
        %mul3A_403 = arith.constant 16 : i32
        %mul3A_404 = arith.muli %add3A_392, %mul3A_403 : i32
        %get3A_405 = arith.index_cast %mul3A_404 : i32 to index
        %get3A_406 = tpu.vector_load %arg12[%get3A_405] {strides = array<i32>} : memref<8192xf32, #tpu.memory_space<vmem>>, vector<16xf32>,
        %get3A_407 = vector.shape_cast %get3A_406 : vector<16xf32> to vector<16xf32>
        %sub3A_408 = arith.subf %get3A_397, %get3A_402 : vector<16xf32>
        %mul3A_409 = arith.constant 1.000000e+05 : f32
        %mul3A_410 = vector.broadcast %mul3A_409 : f32 to vector<16xf32>
        %mul3A_411 = arith.mulf %get3A_407, %mul3A_410 : vector<16xf32>
        %convert_element_type3A_412 = arith.fptosi %mul3A_411 : vector<16xf32> to vector<16xi32>
        %min3A_413 = arith.constant 99999 : i32
        %min3A_414 = vector.broadcast %min3A_413 : i32 to vector<16xi32>
        %min3A_415 = arith.minsi %convert_element_type3A_412, %min3A_414 : vector<16xi32>
        %mul3A_416 = arith.constant 16 : i32
        %mul3A_417 = arith.muli %add3A_392, %mul3A_416 : i32
        %swap3A_418 = arith.index_cast %mul3A_417 : i32 to index
        %swap3A_419 = tpu.vector_load %arg14[%swap3A_418] {strides = array<i32>} : memref<8192xf32, #tpu.memory_space<vmem>>, vector<16xf32>,
        %swap3A_420 = vector.shape_cast %swap3A_419 : vector<16xf32> to vector<16xf32>
        %swap3A_421 = vector.shape_cast %sub3A_408 : vector<16xf32> to vector<16xf32>
        tpu.vector_store %arg14[%swap3A_418], %swap3A_421 {strides = array<i32>} : memref<8192xf32, #tpu.memory_space<vmem>>, vector<16xf32>,
        %mul3A_422 = arith.constant 16 : i32
        %mul3A_423 = arith.muli %add3A_392, %mul3A_422 : i32
        %swap3A_424 = arith.index_cast %mul3A_423 : i32 to index
        %swap3A_425 = tpu.vector_load %arg16[%swap3A_424] {strides = array<i32>} : memref<8192xi32, #tpu.memory_space<vmem>>, vector<16xi32>,
        %swap3A_426 = vector.shape_cast %swap3A_425 : vector<16xi32> to vector<16xi32>
        %swap3A_427 = vector.shape_cast %min3A_415 : vector<16xi32> to vector<16xi32>
        tpu.vector_store %arg16[%swap3A_424], %swap3A_427 {strides = array<i32>} : memref<8192xi32, #tpu.memory_space<vmem>>, vector<16xi32>,
      }
      %scan3A_95 = arith.constant 512 : i32
      %dma_start3A_96 = arith.constant 0 : i32
      %dma_start3A_97 = tpu.memref_slice %arg6[%dma_start3A_96] : memref<100096xf32, #tpu.memory_space<vmem_shared>> -> memref<100096xf32, #tpu.memory_space<vmem_shared>>
      tpu.enqueue_indirect_dma source(%arg14 : memref<8192xf32, #tpu.memory_space<vmem>>) target(%dma_start3A_97 : memref<100096xf32, #tpu.memory_space<vmem_shared>>) offsets(%arg16 : memref<8192xi32, #tpu.memory_space<vmem>>) semaphore(%arg21 : memref<!tpu.dma_semaphore, #tpu.memory_space<semaphore_mem>>) {add = true}
      %add3A_98 = arith.constant 2 : i32
      %add3A_99 = arith.addi %add3A_76, %add3A_98 : i32
      %lt3A_100 = arith.constant 32 : i32
      %lt3A_101 = arith.cmpi slt, %add3A_99, %lt3A_100 : i32
      %convert_element_type3A_102 = arith.extui %lt3A_101 : i1 to i32
      %cond3A_103 = arith.constant 0 : i32
      %cond3A_104 = arith.cmpi ne, %convert_element_type3A_102, %cond3A_103 : i32
      scf.if %cond3A_104 {
        %add3A_105 = arith.constant 2 : i32
        %add3A_106 = arith.addi %add3A_76, %add3A_105 : i32
        %mul3A_107 = arith.constant 8192 : i32
        %mul3A_108 = arith.muli %add3A_106, %mul3A_107 : i32
        %add3A_109 = arith.addi %mul3A_8, %mul3A_108 : i32
        %dma_start3A_110 = tpu.memref_slice %arg2[%add3A_109] : memref<8388608xf32, #tpu.memory_space<hbm>> -> memref<8192xf32, #tpu.memory_space<hbm>>
        %dma_start3A_111 = tpu.memref_slice %arg2[%add3A_109] : memref<8388608xf32, #tpu.memory_space<hbm>> -> memref<8192xf32, #tpu.memory_space<hbm>>
        tpu.enqueue_dma source(%dma_start3A_111 : memref<8192xf32, #tpu.memory_space<hbm>>) target(%arg8 : memref<8192xf32, #tpu.memory_space<vmem>>) target_semaphore(%arg19 : memref<!tpu.dma_semaphore, #tpu.memory_space<semaphore_mem>>)
        %dma_start3A_112 = tpu.memref_slice %arg3[%add3A_109] : memref<8388608xf32, #tpu.memory_space<hbm>> -> memref<8192xf32, #tpu.memory_space<hbm>>
        %dma_start3A_113 = tpu.memref_slice %arg3[%add3A_109] : memref<8388608xf32, #tpu.memory_space<hbm>> -> memref<8192xf32, #tpu.memory_space<hbm>>
        tpu.enqueue_dma source(%dma_start3A_113 : memref<8192xf32, #tpu.memory_space<hbm>>) target(%arg10 : memref<8192xf32, #tpu.memory_space<vmem>>) target_semaphore(%arg19 : memref<!tpu.dma_semaphore, #tpu.memory_space<semaphore_mem>>)
        %dma_start3A_114 = tpu.memref_slice %arg4[%add3A_109] : memref<8388608xf32, #tpu.memory_space<hbm>> -> memref<8192xf32, #tpu.memory_space<hbm>>
        %dma_start3A_115 = tpu.memref_slice %arg4[%add3A_109] : memref<8388608xf32, #tpu.memory_space<hbm>> -> memref<8192xf32, #tpu.memory_space<hbm>>
        tpu.enqueue_dma source(%dma_start3A_115 : memref<8192xf32, #tpu.memory_space<hbm>>) target(%arg12 : memref<8192xf32, #tpu.memory_space<vmem>>) target_semaphore(%arg19 : memref<!tpu.dma_semaphore, #tpu.memory_space<semaphore_mem>>)
      } else {
      }
    }
    %scan3A_28 = arith.constant 16 : i32
    %dma_wait3A = arith.constant 0 : i32
    %dma_wait3A_29 = tpu.memref_slice %arg6[%dma_wait3A] : memref<100096xf32, #tpu.memory_space<vmem_shared>> -> memref<100096xf32, #tpu.memory_space<vmem_shared>>
    tpu.wait_indirect_dma semaphore(%arg20 : memref<!tpu.dma_semaphore, #tpu.memory_space<semaphore_mem>>) src(%arg13 : memref<8192xf32, #tpu.memory_space<vmem>>) dst(%dma_wait3A_29 : memref<100096xf32, #tpu.memory_space<vmem_shared>>)
    %dma_wait3A_30 = arith.constant 0 : i32
    %dma_wait3A_31 = tpu.memref_slice %arg6[%dma_wait3A_30] : memref<100096xf32, #tpu.memory_space<vmem_shared>> -> memref<100096xf32, #tpu.memory_space<vmem_shared>>
    tpu.wait_indirect_dma semaphore(%arg21 : memref<!tpu.dma_semaphore, #tpu.memory_space<semaphore_mem>>) src(%arg14 : memref<8192xf32, #tpu.memory_space<vmem>>) dst(%dma_wait3A_31 : memref<100096xf32, #tpu.memory_space<vmem_shared>>)
    %barrier3A_32 = arith.constant 0 : index
    tpu.barrier barrier_id(%barrier3A_32)
    %mul3A_33 = arith.constant 6256 : i32
    %mul3A_34 = arith.muli %arg1, %mul3A_33 : i32
    "tpu.region"() ({
      %run_scoped3A = tpu.sem_alloc : memref<!tpu.dma_semaphore, #tpu.memory_space<semaphore_mem>>
      %dma_start3A_40 = tpu.memref_slice %arg6[%mul3A_34] : memref<100096xf32, #tpu.memory_space<vmem_shared>> -> memref<6256xf32, #tpu.memory_space<vmem_shared>>
      %dma_start3A_41 = tpu.memref_slice %arg6[%mul3A_34] : memref<100096xf32, #tpu.memory_space<vmem_shared>> -> memref<6256xf32, #tpu.memory_space<vmem_shared>>
      tpu.enqueue_dma source(%dma_start3A_41 : memref<6256xf32, #tpu.memory_space<vmem_shared>>) target(%arg17 : memref<6256xf32, #tpu.memory_space<vmem>>) target_semaphore(%run_scoped3A : memref<!tpu.dma_semaphore, #tpu.memory_space<semaphore_mem>>)
      %dma_wait3A_42 = tpu.memref_slice %arg6[%mul3A_34] : memref<100096xf32, #tpu.memory_space<vmem_shared>> -> memref<6256xf32, #tpu.memory_space<vmem_shared>>
      %dma_wait3A_43 = tpu.memref_slice %arg6[%mul3A_34] : memref<100096xf32, #tpu.memory_space<vmem_shared>> -> memref<6256xf32, #tpu.memory_space<vmem_shared>>
      tpu.wait_dma2 semaphore(%run_scoped3A : memref<!tpu.dma_semaphore, #tpu.memory_space<semaphore_mem>>) src(%dma_wait3A_43 : memref<6256xf32, #tpu.memory_space<vmem_shared>>) dst(%arg17 : memref<6256xf32, #tpu.memory_space<vmem>>)
      tpu.yield
    }) : () -> ()
    %mul3A_35 = arith.constant 100096 : i32
    %mul3A_36 = arith.muli %arg0, %mul3A_35 : i32
    %mul3A_37 = arith.constant 6256 : i32
    %mul3A_38 = arith.muli %arg1, %mul3A_37 : i32
    %add3A_39 = arith.addi %mul3A_36, %mul3A_38 : i32
    "tpu.region"() ({
      %run_scoped3A = tpu.sem_alloc : memref<!tpu.dma_semaphore, #tpu.memory_space<semaphore_mem>>
      %dma_start3A_40 = tpu.memref_slice %arg5[%add3A_39] : memref<200192xf32, #tpu.memory_space<hbm>> -> memref<6256xf32, #tpu.memory_space<hbm>>
      %dma_start3A_41 = tpu.memref_slice %arg5[%add3A_39] : memref<200192xf32, #tpu.memory_space<hbm>> -> memref<6256xf32, #tpu.memory_space<hbm>>
      tpu.enqueue_dma source(%arg17 : memref<6256xf32, #tpu.memory_space<vmem>>) target(%dma_start3A_41 : memref<6256xf32, #tpu.memory_space<hbm>>) target_semaphore(%run_scoped3A : memref<!tpu.dma_semaphore, #tpu.memory_space<semaphore_mem>>)
      %dma_wait3A_42 = tpu.memref_slice %arg5[%add3A_39] : memref<200192xf32, #tpu.memory_space<hbm>> -> memref<6256xf32, #tpu.memory_space<hbm>>
      %dma_wait3A_43 = tpu.memref_slice %arg5[%add3A_39] : memref<200192xf32, #tpu.memory_space<hbm>> -> memref<6256xf32, #tpu.memory_space<hbm>>
      tpu.wait_dma2 semaphore(%run_scoped3A : memref<!tpu.dma_semaphore, #tpu.memory_space<semaphore_mem>>) src(%arg17 : memref<6256xf32, #tpu.memory_space<vmem>>) dst(%dma_wait3A_43 : memref<6256xf32, #tpu.memory_space<hbm>>)
      tpu.yield
    }) : () -> ()
    return
  }
}

module attributes {stable_mosaic.version = 14 : i64} {
  func.func @_tc_thresh_body(%arg0: memref<2x782x128xf32, #tpu.memory_space<vmem>>, %arg1: memref<782x128xf32, #tpu.memory_space<vmem>>, %arg2: memref<1x1xf32, #tpu.memory_space<smem>>, %arg3: memref<1x1xf32, #tpu.memory_space<smem>>) attributes {dimension_semantics = [], scalar_prefetch = 0 : i64, scratch_operands = 0 : i64, tpu.core_type = #tpu.core_type<tc>} {
    %get3A = arith.constant 0 : index
    %get3A_0 = arith.constant 0 : index
    %get3A_1 = arith.constant 0 : index
    %get3A_2 = vector.load %arg0[%get3A, %get3A_0, %get3A_1] : memref<2x782x128xf32, #tpu.memory_space<vmem>>, vector<1x782x128xf32>
    %get3A_3 = vector.shape_cast %get3A_2 : vector<1x782x128xf32> to vector<782x128xf32>
    %get3A_4 = arith.constant 1 : index
    %get3A_5 = arith.constant 0 : index
    %get3A_6 = arith.constant 0 : index
    %get3A_7 = vector.load %arg0[%get3A_4, %get3A_5, %get3A_6] : memref<2x782x128xf32, #tpu.memory_space<vmem>>, vector<1x782x128xf32>
    %get3A_8 = vector.shape_cast %get3A_7 : vector<1x782x128xf32> to vector<782x128xf32>
    %add3A = arith.addf %get3A_3, %get3A_8 : vector<782x128xf32>
    %get3A_9 = arith.constant 0 : index
    %get3A_10 = arith.constant 0 : index
    %get3A_11 = vector.load %arg1[%get3A_9, %get3A_10] : memref<782x128xf32, #tpu.memory_space<vmem>>, vector<782x128xf32>
    %mul3A = arith.constant 0.799557983 : f32
    %mul3A_12 = vector.broadcast %mul3A : f32 to vector<782x128xf32>
    %mul3A_13 = arith.mulf %get3A_11, %mul3A_12 : vector<782x128xf32>
    %mul3A_14 = arith.constant 0.200442016 : f32
    %mul3A_15 = vector.broadcast %mul3A_14 : f32 to vector<782x128xf32>
    %mul3A_16 = arith.mulf %mul3A_15, %add3A : vector<782x128xf32>
    %add3A_17 = arith.addf %mul3A_13, %mul3A_16 : vector<782x128xf32>
    %broadcast_in_dim3A = arith.constant 0.000000e+00 : f32
    %broadcast_in_dim3A_18 = vector.broadcast %broadcast_in_dim3A : f32 to vector<782x1xf32>
    %slice3A = vector.extract_strided_slice %add3A_17 {offsets = [0, 0], sizes = [782, 127], strides = [1, 1]} : vector<782x128xf32> to vector<782x127xf32>
    %concatenate3A = tpu.concatenate %broadcast_in_dim3A_18, %slice3A in 1 : vector<782x1xf32>, vector<782x127xf32> -> vector<782x128xf32>
    %add3A_19 = arith.addf %add3A_17, %concatenate3A : vector<782x128xf32>
    %broadcast_in_dim3A_20 = arith.constant 0.000000e+00 : f32
    %broadcast_in_dim3A_21 = vector.broadcast %broadcast_in_dim3A_20 : f32 to vector<782x2xf32>
    %slice3A_22 = vector.extract_strided_slice %add3A_19 {offsets = [0, 0], sizes = [782, 126], strides = [1, 1]} : vector<782x128xf32> to vector<782x126xf32>
    %concatenate3A_23 = tpu.concatenate %broadcast_in_dim3A_21, %slice3A_22 in 1 : vector<782x2xf32>, vector<782x126xf32> -> vector<782x128xf32>
    %add3A_24 = arith.addf %add3A_19, %concatenate3A_23 : vector<782x128xf32>
    %broadcast_in_dim3A_25 = arith.constant 0.000000e+00 : f32
    %broadcast_in_dim3A_26 = vector.broadcast %broadcast_in_dim3A_25 : f32 to vector<782x4xf32>
    %slice3A_27 = vector.extract_strided_slice %add3A_24 {offsets = [0, 0], sizes = [782, 124], strides = [1, 1]} : vector<782x128xf32> to vector<782x124xf32>
    %concatenate3A_28 = tpu.concatenate %broadcast_in_dim3A_26, %slice3A_27 in 1 : vector<782x4xf32>, vector<782x124xf32> -> vector<782x128xf32>
    %add3A_29 = arith.addf %add3A_24, %concatenate3A_28 : vector<782x128xf32>
    %broadcast_in_dim3A_30 = arith.constant 0.000000e+00 : f32
    %broadcast_in_dim3A_31 = vector.broadcast %broadcast_in_dim3A_30 : f32 to vector<782x8xf32>
    %slice3A_32 = vector.extract_strided_slice %add3A_29 {offsets = [0, 0], sizes = [782, 120], strides = [1, 1]} : vector<782x128xf32> to vector<782x120xf32>
    %concatenate3A_33 = tpu.concatenate %broadcast_in_dim3A_31, %slice3A_32 in 1 : vector<782x8xf32>, vector<782x120xf32> -> vector<782x128xf32>
    %add3A_34 = arith.addf %add3A_29, %concatenate3A_33 : vector<782x128xf32>
    %broadcast_in_dim3A_35 = arith.constant 0.000000e+00 : f32
    %broadcast_in_dim3A_36 = vector.broadcast %broadcast_in_dim3A_35 : f32 to vector<782x16xf32>
    %slice3A_37 = vector.extract_strided_slice %add3A_34 {offsets = [0, 0], sizes = [782, 112], strides = [1, 1]} : vector<782x128xf32> to vector<782x112xf32>
    %concatenate3A_38 = tpu.concatenate %broadcast_in_dim3A_36, %slice3A_37 in 1 : vector<782x16xf32>, vector<782x112xf32> -> vector<782x128xf32>
    %add3A_39 = arith.addf %add3A_34, %concatenate3A_38 : vector<782x128xf32>
    %broadcast_in_dim3A_40 = arith.constant 0.000000e+00 : f32
    %broadcast_in_dim3A_41 = vector.broadcast %broadcast_in_dim3A_40 : f32 to vector<782x32xf32>
    %slice3A_42 = vector.extract_strided_slice %add3A_39 {offsets = [0, 0], sizes = [782, 96], strides = [1, 1]} : vector<782x128xf32> to vector<782x96xf32>
    %concatenate3A_43 = tpu.concatenate %broadcast_in_dim3A_41, %slice3A_42 in 1 : vector<782x32xf32>, vector<782x96xf32> -> vector<782x128xf32>
    %add3A_44 = arith.addf %add3A_39, %concatenate3A_43 : vector<782x128xf32>
    %broadcast_in_dim3A_45 = arith.constant 0.000000e+00 : f32
    %broadcast_in_dim3A_46 = vector.broadcast %broadcast_in_dim3A_45 : f32 to vector<782x64xf32>
    %slice3A_47 = vector.extract_strided_slice %add3A_44 {offsets = [0, 0], sizes = [782, 64], strides = [1, 1]} : vector<782x128xf32> to vector<782x64xf32>
    %concatenate3A_48 = tpu.concatenate %broadcast_in_dim3A_46, %slice3A_47 in 1 : vector<782x64xf32>, vector<782x64xf32> -> vector<782x128xf32>
    %add3A_49 = arith.addf %add3A_44, %concatenate3A_48 : vector<782x128xf32>
    %slice3A_50 = vector.extract_strided_slice %add3A_49 {offsets = [0, 127], sizes = [782, 1], strides = [1, 1]} : vector<782x128xf32> to vector<782x1xf32>
    %broadcast_in_dim3A_51 = arith.constant 0.000000e+00 : f32
    %broadcast_in_dim3A_52 = vector.broadcast %broadcast_in_dim3A_51 : f32 to vector<1x1xf32>
    %slice3A_53 = vector.extract_strided_slice %slice3A_50 {offsets = [0, 0], sizes = [781, 1], strides = [1, 1]} : vector<782x1xf32> to vector<781x1xf32>
    %concatenate3A_54 = tpu.concatenate %broadcast_in_dim3A_52, %slice3A_53 in 0 : vector<1x1xf32>, vector<781x1xf32> -> vector<782x1xf32>
    %broadcast_in_dim3A_55 = arith.constant 0.000000e+00 : f32
    %broadcast_in_dim3A_56 = vector.broadcast %broadcast_in_dim3A_55 : f32 to vector<1x1xf32>
    %slice3A_57 = vector.extract_strided_slice %concatenate3A_54 {offsets = [0, 0], sizes = [781, 1], strides = [1, 1]} : vector<782x1xf32> to vector<781x1xf32>
    %concatenate3A_58 = tpu.concatenate %broadcast_in_dim3A_56, %slice3A_57 in 0 : vector<1x1xf32>, vector<781x1xf32> -> vector<782x1xf32>
    %add3A_59 = arith.addf %concatenate3A_54, %concatenate3A_58 : vector<782x1xf32>
    %broadcast_in_dim3A_60 = arith.constant 0.000000e+00 : f32
    %broadcast_in_dim3A_61 = vector.broadcast %broadcast_in_dim3A_60 : f32 to vector<2x1xf32>
    %slice3A_62 = vector.extract_strided_slice %add3A_59 {offsets = [0, 0], sizes = [780, 1], strides = [1, 1]} : vector<782x1xf32> to vector<780x1xf32>
    %concatenate3A_63 = tpu.concatenate %broadcast_in_dim3A_61, %slice3A_62 in 0 : vector<2x1xf32>, vector<780x1xf32> -> vector<782x1xf32>
    %add3A_64 = arith.addf %add3A_59, %concatenate3A_63 : vector<782x1xf32>
    %broadcast_in_dim3A_65 = arith.constant 0.000000e+00 : f32
    %broadcast_in_dim3A_66 = vector.broadcast %broadcast_in_dim3A_65 : f32 to vector<4x1xf32>
    %slice3A_67 = vector.extract_strided_slice %add3A_64 {offsets = [0, 0], sizes = [778, 1], strides = [1, 1]} : vector<782x1xf32> to vector<778x1xf32>
    %concatenate3A_68 = tpu.concatenate %broadcast_in_dim3A_66, %slice3A_67 in 0 : vector<4x1xf32>, vector<778x1xf32> -> vector<782x1xf32>
    %add3A_69 = arith.addf %add3A_64, %concatenate3A_68 : vector<782x1xf32>
    %broadcast_in_dim3A_70 = arith.constant 0.000000e+00 : f32
    %broadcast_in_dim3A_71 = vector.broadcast %broadcast_in_dim3A_70 : f32 to vector<8x1xf32>
    %slice3A_72 = vector.extract_strided_slice %add3A_69 {offsets = [0, 0], sizes = [774, 1], strides = [1, 1]} : vector<782x1xf32> to vector<774x1xf32>
    %concatenate3A_73 = tpu.concatenate %broadcast_in_dim3A_71, %slice3A_72 in 0 : vector<8x1xf32>, vector<774x1xf32> -> vector<782x1xf32>
    %add3A_74 = arith.addf %add3A_69, %concatenate3A_73 : vector<782x1xf32>
    %broadcast_in_dim3A_75 = arith.constant 0.000000e+00 : f32
    %broadcast_in_dim3A_76 = vector.broadcast %broadcast_in_dim3A_75 : f32 to vector<16x1xf32>
    %slice3A_77 = vector.extract_strided_slice %add3A_74 {offsets = [0, 0], sizes = [766, 1], strides = [1, 1]} : vector<782x1xf32> to vector<766x1xf32>
    %concatenate3A_78 = tpu.concatenate %broadcast_in_dim3A_76, %slice3A_77 in 0 : vector<16x1xf32>, vector<766x1xf32> -> vector<782x1xf32>
    %add3A_79 = arith.addf %add3A_74, %concatenate3A_78 : vector<782x1xf32>
    %broadcast_in_dim3A_80 = arith.constant 0.000000e+00 : f32
    %broadcast_in_dim3A_81 = vector.broadcast %broadcast_in_dim3A_80 : f32 to vector<32x1xf32>
    %slice3A_82 = vector.extract_strided_slice %add3A_79 {offsets = [0, 0], sizes = [750, 1], strides = [1, 1]} : vector<782x1xf32> to vector<750x1xf32>
    %concatenate3A_83 = tpu.concatenate %broadcast_in_dim3A_81, %slice3A_82 in 0 : vector<32x1xf32>, vector<750x1xf32> -> vector<782x1xf32>
    %add3A_84 = arith.addf %add3A_79, %concatenate3A_83 : vector<782x1xf32>
    %broadcast_in_dim3A_85 = arith.constant 0.000000e+00 : f32
    %broadcast_in_dim3A_86 = vector.broadcast %broadcast_in_dim3A_85 : f32 to vector<64x1xf32>
    %slice3A_87 = vector.extract_strided_slice %add3A_84 {offsets = [0, 0], sizes = [718, 1], strides = [1, 1]} : vector<782x1xf32> to vector<718x1xf32>
    %concatenate3A_88 = tpu.concatenate %broadcast_in_dim3A_86, %slice3A_87 in 0 : vector<64x1xf32>, vector<718x1xf32> -> vector<782x1xf32>
    %add3A_89 = arith.addf %add3A_84, %concatenate3A_88 : vector<782x1xf32>
    %broadcast_in_dim3A_90 = arith.constant 0.000000e+00 : f32
    %broadcast_in_dim3A_91 = vector.broadcast %broadcast_in_dim3A_90 : f32 to vector<128x1xf32>
    %slice3A_92 = vector.extract_strided_slice %add3A_89 {offsets = [0, 0], sizes = [654, 1], strides = [1, 1]} : vector<782x1xf32> to vector<654x1xf32>
    %concatenate3A_93 = tpu.concatenate %broadcast_in_dim3A_91, %slice3A_92 in 0 : vector<128x1xf32>, vector<654x1xf32> -> vector<782x1xf32>
    %add3A_94 = arith.addf %add3A_89, %concatenate3A_93 : vector<782x1xf32>
    %broadcast_in_dim3A_95 = arith.constant 0.000000e+00 : f32
    %broadcast_in_dim3A_96 = vector.broadcast %broadcast_in_dim3A_95 : f32 to vector<256x1xf32>
    %slice3A_97 = vector.extract_strided_slice %add3A_94 {offsets = [0, 0], sizes = [526, 1], strides = [1, 1]} : vector<782x1xf32> to vector<526x1xf32>
    %concatenate3A_98 = tpu.concatenate %broadcast_in_dim3A_96, %slice3A_97 in 0 : vector<256x1xf32>, vector<526x1xf32> -> vector<782x1xf32>
    %add3A_99 = arith.addf %add3A_94, %concatenate3A_98 : vector<782x1xf32>
    %broadcast_in_dim3A_100 = arith.constant 0.000000e+00 : f32
    %broadcast_in_dim3A_101 = vector.broadcast %broadcast_in_dim3A_100 : f32 to vector<512x1xf32>
    %slice3A_102 = vector.extract_strided_slice %add3A_99 {offsets = [0, 0], sizes = [270, 1], strides = [1, 1]} : vector<782x1xf32> to vector<270x1xf32>
    %concatenate3A_103 = tpu.concatenate %broadcast_in_dim3A_101, %slice3A_102 in 0 : vector<512x1xf32>, vector<270x1xf32> -> vector<782x1xf32>
    %add3A_104 = arith.addf %add3A_99, %concatenate3A_103 : vector<782x1xf32>
    %add3A_105 = vector.broadcast %add3A_104 : vector<782x1xf32> to vector<782x128xf32>
    %add3A_106 = arith.addf %add3A_49, %add3A_105 : vector<782x128xf32>
    %iota3A = tpu.iota {dimensions = array<i32: 0>} : vector<782x128xi32>
    %mul3A_107 = arith.constant 128 : i32
    %mul3A_108 = vector.broadcast %mul3A_107 : i32 to vector<782x128xi32>
    %mul3A_109 = arith.muli %iota3A, %mul3A_108 : vector<782x128xi32>
    %iota3A_110 = tpu.iota {dimensions = array<i32: 1>} : vector<782x128xi32>
    %add3A_111 = arith.addi %mul3A_109, %iota3A_110 : vector<782x128xi32>
    %lt3A = arith.constant 100000 : i32
    %lt3A_112 = vector.broadcast %lt3A : i32 to vector<782x128xi32>
    %lt3A_113 = arith.cmpi slt, %add3A_111, %lt3A_112 : vector<782x128xi32>
    %jit3A = arith.constant 0x7F800000 : f32
    %broadcast_in_dim3A_114 = vector.broadcast %jit3A : f32 to vector<782x128xf32>
    %select_n3A = arith.select %lt3A_113, %add3A_106, %broadcast_in_dim3A_114 : vector<782x128xi1>, vector<782x128xf32>
    %reduce_min3A = vector.shape_cast %select_n3A : vector<782x128xf32> to vector<1x782x128xf32>
    %reduce_min3A_115 = arith.constant dense<0x7F800000> : vector<1xf32>
    %reduce_min3A_116 = vector.multi_reduction <minimumf>, %reduce_min3A, %reduce_min3A_115 [1, 2] : vector<1x782x128xf32> to vector<1xf32>
    %reduce_min3A_117 = vector.shape_cast %reduce_min3A_116 : vector<1xf32> to vector<1x1x1xf32>
    %reduce_min3A_118 = vector.extract %reduce_min3A_117[0, 0, 0] : f32 from vector<1x1x1xf32>
    %min3A = arith.constant 0.000000e+00 : f32
    %min3A_119 = arith.minimumf %reduce_min3A_118, %min3A : f32
    %eq3A = vector.broadcast %min3A_119 : f32 to vector<782x128xf32>
    %eq3A_120 = arith.cmpf oeq, %add3A_106, %eq3A : vector<782x128xf32>
    %and3A = arith.andi %lt3A_113, %eq3A_120 : vector<782x128xi1>
    %convert_element_type3A = arith.extui %and3A : vector<782x128xi1> to vector<782x128xi32>
    %convert_element_type3A_121 = arith.sitofp %convert_element_type3A : vector<782x128xi32> to vector<782x128xf32>
    %reduce_sum3A = vector.shape_cast %convert_element_type3A_121 : vector<782x128xf32> to vector<1x782x128xf32>
    %reduce_sum3A_122 = arith.constant dense<0.000000e+00> : vector<1xf32>
    %reduce_sum3A_123 = vector.multi_reduction <add>, %reduce_sum3A, %reduce_sum3A_122 [1, 2] : vector<1x782x128xf32> to vector<1xf32>
    %reduce_sum3A_124 = vector.shape_cast %reduce_sum3A_123 : vector<1xf32> to vector<1x1x1xf32>
    %reduce_sum3A_125 = vector.extract %reduce_sum3A_124[0, 0, 0] : f32 from vector<1x1x1xf32>
    %eq3A_126 = arith.constant 0.000000e+00 : f32
    %eq3A_127 = arith.cmpf oeq, %min3A_119, %eq3A_126 : f32
    %jit3A_128 = arith.constant 1.000000e+00 : f32
    %jit3A_129 = arith.constant 0.000000e+00 : f32
    %select_n3A_130 = arith.select %eq3A_127, %jit3A_128, %jit3A_129 : f32
    %add3A_131 = arith.addf %reduce_sum3A_125, %select_n3A_130 : f32
    %add3A_132 = arith.constant 1 : i32
    %add3A_133 = vector.broadcast %add3A_132 : i32 to vector<782x128xi32>
    %add3A_134 = arith.addi %add3A_111, %add3A_133 : vector<782x128xi32>
    %convert_element_type3A_135 = arith.sitofp %add3A_134 : vector<782x128xi32> to vector<782x128xf32>
    %jit3A_136 = arith.constant 0.000000e+00 : f32
    %broadcast_in_dim3A_137 = vector.broadcast %jit3A_136 : f32 to vector<782x128xf32>
    %select_n3A_138 = arith.select %and3A, %convert_element_type3A_135, %broadcast_in_dim3A_137 : vector<782x128xi1>, vector<782x128xf32>
    %reduce_sum3A_139 = vector.shape_cast %select_n3A_138 : vector<782x128xf32> to vector<1x782x128xf32>
    %reduce_sum3A_140 = arith.constant dense<0.000000e+00> : vector<1xf32>
    %reduce_sum3A_141 = vector.multi_reduction <add>, %reduce_sum3A_139, %reduce_sum3A_140 [1, 2] : vector<1x782x128xf32> to vector<1xf32>
    %reduce_sum3A_142 = vector.shape_cast %reduce_sum3A_141 : vector<1xf32> to vector<1x1x1xf32>
    %reduce_sum3A_143 = vector.extract %reduce_sum3A_142[0, 0, 0] : f32 from vector<1x1x1xf32>
    %div3A = arith.divf %reduce_sum3A_143, %add3A_131 : f32
    %mul3A_144 = arith.constant 1.000000e+00 : f32
    %mul3A_145 = arith.mulf %div3A, %mul3A_144 : f32
    %div3A_146 = arith.constant 1.000000e+05 : f32
    %div3A_147 = arith.divf %mul3A_145, %div3A_146 : f32
    %add3A_148 = arith.constant 0.000000e+00 : f32
    %add3A_149 = arith.addf %div3A_147, %add3A_148 : f32
    %get3A_150 = arith.constant 0 : index
    %get3A_151 = arith.constant 0 : index
    %get3A_152 = memref.load %arg2[%get3A_150, %get3A_151] : memref<1x1xf32, #tpu.memory_space<smem>>
    %mul3A_153 = arith.constant 0.799557983 : f32
    %mul3A_154 = arith.mulf %get3A_152, %mul3A_153 : f32
    %add3A_155 = arith.constant 0.200442016 : f32
    %add3A_156 = arith.addf %mul3A_154, %add3A_155 : f32
    %gt3A = arith.constant 0.000000e+00 : f32
    %gt3A_157 = arith.cmpf ogt, %add3A_156, %gt3A : f32
    %jit3A_158 = arith.constant 5.000000e-01 : f32
    %select_n3A_159 = arith.select %gt3A_157, %add3A_149, %jit3A_158 : f32
    %swap3A = arith.constant 0 : index
    %swap3A_160 = arith.constant 0 : index
    %swap3A_161 = memref.load %arg3[%swap3A, %swap3A_160] : memref<1x1xf32, #tpu.memory_space<smem>>
    memref.store %select_n3A_159, %arg3[%swap3A, %swap3A_160] : memref<1x1xf32, #tpu.memory_space<smem>>
    return
  }
}

</mosaic_0001>

<sc_bundles>
// kernel: kernel.4.cloned.1.call-start
scs
__scs_entry_jumppad:
0x0: {  	(pc) =	sbr.rel $0x88, $3  }
0x1: {  	(tag) =	ssettag $0x0;
	lr =	simm.s32 $0x1  }
0x2: {  	[smem:$0x3F9C] =	sst lr;
	_ =	strace $0xD0000000  }
0x3: {  	_ = 	snop  }
0x4: {  	_ = 	snop  }
0x5: {  	_ = 	snop  }
0x6: {  	_ = 	snop  }
0x7: {  	_ = 	snop  }
__scs_overlays_trampoline_lowered:
0x8: {  	[smem:$0x3FAB] =	sst s0  }
0x9: {  	[smem:$0x3FAC] =	sst s1  }
0xa: {  	[smem:$0x3FAD] =	sst s2  }
0xb: {  	[smem:$0x3FAE] =	sst s3  }
0xc: {  	[smem:$0x3FAF] =	sst s4  }
0xd: {  	[smem:$0x3FB0] =	sst s5  }
0xe: {  	[smem:$0x3FB1] =	sst s6  }
0xf: {  	[smem:$0x3FB2] =	sst s7  }
0x10: {  	[smem:$0x3FB3] =	sst s8  }
0x11: {  	[smem:$0x3FB4] =	sst s9;
	s0 =	simm.s32 @!p0 $0x0  }
0x12: {  	s1 =	sld [smem:$0x3F9A];
	s0 =	simm.s32 @p0 $0x1  }
0x13: {  	[smem:$0x3FB5] =	sst s0;
	s0 =	simm.s32 @!p1 $0x0  }
0x14: {  	s2 =	sld [smem:$0x3F99];
	s0 =	simm.s32 @p1 $0x1  }
0x15: {  	[smem:$0x3FB6] =	sst s0;
	s0 =	simm.s32 @!p2 $0x0  }
0x16: {  	s3 =	sld [smem:$0x3FDB];
	s0 =	simm.s32 @p2 $0x1  }
0x17: {  	s4 =	simm.s32 $0x1BF5;
	[smem:$0x3FB8] =	sst s0  }
0x18: {  	s0 =	sld [smem:$0x3F9B];
	_ =	swait.ge [sflag:s4], $0x0  }
0x19: {  	s7 =	sld [smem:$0x3F9C]  }
0x1a: {  	s8 =	sadd.s32 $0xFFFFE003, lr  }
0x1b: {  	s9 =	sadd.s32 $0xFFFFFEF7, lr;
	s5 =	simm.s32 $0xFFFFFFFF;
	p2 =	slt.u32 s8, $0xFFFFF086  }
0x1c: {  	p1 =	slt.u32 s9, $0xF7A;
	s5 =	simm.s32 @!p2 $0x0  }
0x1d: {  	s5 =	simm.s32 @p1 $0x1;
	p0 =	seq.s32 s7, s2  }
0x1e: {  	s7 =	smul.u32 @!p0 $0xF7A, s2;
	p2 =	seq.s32 @!p0 s5, $0x0  }
0x1f: {  	s9 =	smul.u32 $0xF7A, s1;
	s8 =	simm.s32 @!p0 $0x1BF5;
	p2 =	por !p2, p0  }
0x20: {  	[sflag:s8] =	ssyncset.s32 @!p0 $0xFFFFF086;
	s6 =	sadd.s32 @!p0 s3, s7;
	s7 =	simm.s32 @!p0 $0x108  }
0x21: {  	s3 =	sadd.s32 s3, s9;
	s6 =	sadd.s32 @!p0 $0x88, s6;
	s7 =	simm.s32 @p2 $0x1082  }
0x22: {  	[simem:s7], [sflag:s8] =	dma.local @!p0 [hbm:s6], $0xF7A  }
0x23: {  	s9 =	sor.u32 $0xD0000000, s2;
	s6 =	simm.s32 $0x108;
	_ =	swait.ge @!p0 [sflag:s8], $0x0  }
0x24: {  	s3 =	sadd.s32 $0x88, s3;
	s6 =	simm.s32 @!p1 $0x1082;
	[sflag:s4] =	ssyncset.s32 $0xFFFFF086  }
0x25: {  	[simem:s6], [sflag:s4] =	dma.local [hbm:s3], $0xF7A  }
0x26: {  	[smem:$0x3F9C] =	sst s1;
	(tag) =	ssettag s2;
	_ =	strace s9  }
0x27: {  	s1 =	sld [smem:$0x3FAC]  }
0x28: {  	s2 =	sld [smem:$0x3FAD]  }
0x29: {  	s4 =	sld [smem:$0x3FAF]  }
0x2a: {  	p0 =	seq.s32 s5, $0x0;
	s5 =	sld [smem:$0x3FB0]  }
0x2b: {  	s6 =	sld [smem:$0x3FB1]  }
0x2c: {  	s7 =	sld [smem:$0x3FB2]  }
0x2d: {  	s3 =	simm.s32 $0x108;
	s8 =	sld [smem:$0x3FB3]  }
0x2e: {  	s3 =	simm.s32 @!p0 $0x1082;
	s9 =	sld [smem:$0x3FB4]  }
0x2f: {  	lr =	sadd.s32 s0, s3;
	s0 =	sld [smem:$0x3FAB]  }
0x30: {  	s3 =	sld [smem:$0x3FAE]  }
0x31: {  	[smem:$0x3FB7] =	sst s10  }
0x32: {  	s10 =	sld [smem:$0x3FB5];
	_ =	sdelay $0x3  }
0x33: {  	p0 =	seq.s32 s10, $0x1;
	s10 =	sld [smem:$0x3FB7];
	_ =	sdelay $0x3  }
0x34: {  	[smem:$0x3FB7] =	sst s10  }
0x35: {  	s10 =	sld [smem:$0x3FB6];
	_ =	sdelay $0x3  }
0x36: {  	p1 =	seq.s32 s10, $0x1;
	s10 =	sld [smem:$0x3FB7];
	_ =	sdelay $0x3  }
0x37: {  	[smem:$0x3FB7] =	sst s10  }
0x38: {  	s10 =	sld [smem:$0x3FB8]  }
0x39: {  	_ = 	snop;
	(pc) =	sbr.ind lr, $3  }
0x3a: {  	_ = 	snop  }
0x3b: {  	_ = 	snop  }
0x3c: {  	p2 =	seq.s32 s10, $0x1;
	s10 =	sld [smem:$0x3FB7]  }
0x3d: {  	_ =	shalt  }
0x3e: {  	_ =	shalt  }
0x3f: {  	_ =	shalt  }
0x40: {  	_ =	shalt  }
0x41: {  	_ =	shalt  }
0x42: {  	_ =	shalt  }
0x43: {  	_ =	shalt  }
0x44: {  	_ =	shalt  }
0x45: {  	_ =	shalt  }
0x46: {  	_ =	shalt  }
0x47: {  	_ =	shalt  }
0x48: {  	_ =	shalt  }
0x49: {  	_ =	shalt  }
0x4a: {  	_ =	shalt  }
0x4b: {  	_ =	shalt  }
0x4c: {  	_ =	shalt  }
0x4d: {  	_ =	shalt  }
0x4e: {  	_ =	shalt  }
0x4f: {  	_ =	shalt  }
0x50: {  	_ =	shalt  }
0x51: {  	_ =	shalt  }
0x52: {  	_ =	shalt  }
0x53: {  	_ =	shalt  }
0x54: {  	_ =	shalt  }
0x55: {  	_ =	shalt  }
0x56: {  	_ =	shalt  }
0x57: {  	_ =	shalt  }
0x58: {  	_ =	shalt  }
0x59: {  	_ =	shalt  }
0x5a: {  	_ =	shalt  }
0x5b: {  	_ =	shalt  }
0x5c: {  	_ =	shalt  }
0x5d: {  	_ =	shalt  }
0x5e: {  	_ =	shalt  }
0x5f: {  	_ =	shalt  }
0x60: {  	_ =	shalt  }
0x61: {  	_ =	shalt  }
0x62: {  	_ =	shalt  }
0x63: {  	_ =	shalt  }
0x64: {  	_ =	shalt  }
0x65: {  	_ =	shalt  }
0x66: {  	_ =	shalt  }
0x67: {  	_ =	shalt  }
0x68: {  	_ =	shalt  }
0x69: {  	_ =	shalt  }
0x6a: {  	_ =	shalt  }
0x6b: {  	_ =	shalt  }
0x6c: {  	_ =	shalt  }
0x6d: {  	_ =	shalt  }
0x6e: {  	_ =	shalt  }
0x6f: {  	_ =	shalt  }
0x70: {  	_ =	shalt  }
0x71: {  	_ =	shalt  }
0x72: {  	_ =	shalt  }
0x73: {  	_ =	shalt  }
0x74: {  	_ =	shalt  }
0x75: {  	_ =	shalt  }
0x76: {  	_ =	shalt  }
0x77: {  	_ =	shalt  }
0x78: {  	_ =	shalt  }
0x79: {  	_ =	shalt  }
0x7a: {  	_ =	shalt  }
0x7b: {  	_ =	shalt  }
0x7c: {  	_ =	shalt  }
0x7d: {  	_ =	shalt  }
0x7e: {  	_ =	shalt  }
0x7f: {  	_ =	shalt  }
0x80: {  	_ =	shalt  }
0x81: {  	_ =	shalt  }
0x82: {  	_ =	shalt  }
0x83: {  	_ =	shalt  }
0x84: {  	_ =	shalt  }
0x85: {  	_ =	shalt  }
0x86: {  	_ =	shalt  }
0x87: {  	_ =	shalt  }
.Lfunc_end0:
.L_simem_size_0:
called_computation_lowered:
.L_overlay_start_0:
0x88: {  	s2 =	sld [smem:$0x3FD9]  }
0x89: {  	s3 =	sld [smem:$0x3FFE];
	_ =	sdelay $0x1  }
0x8a: {  	s1 =	srdreg.scid  }
0x8b: {  	s0 =	sand.u32 $0x1, s1  }
0x8c: {  	s17 =	sshll.u32 s0, $0xA;
	s2 =	sadd.s32 s3, s2  }
0x8d: {  	s2 =	sadd.s32 s2, s17  }
0x8e: {  	[smem:$0x3FC3] =	sst s2  }
0x8f: {  	_ = 	snop  }
0x90: {  	s2 =	sld [smem:$0x3FC9]  }
0x91: {  	s18 =	sld [smem:$0x3FC8]  }
0x92: {  	s4 =	sld [smem:$0x3FC7];
	(tm) =	ssettm $0x1  }
0x93: {  	s5 =	sld [smem:$0x3FFB];
	_ =	sdelay $0x3  }
0x94: {  	_ =	strace s5  }
0x95: {  	s5 =	sld [smem:$0x3FFC];
	_ =	sdelay $0x3  }
0x96: {  	_ =	strace s5  }
0x97: {  	s5 =	sld [smem:$0x3FFD];
	_ =	sdelay $0x3  }
0x98: {  	_ =	strace s5  }
0x99: {  	_ =	strace $0x8FFFFFFF  }
0x9a: {  	s19 =	sld [smem:$0x3FDB];
	_ =	sdelay $0x1  }
0x9b: {  	s6 =	simm.s32 $_scs_section_size  }
0x9c: {  	s7 =	simm.s32 $_size__tile_overlayer_lowered;
	s8 =	simm.s32 $_tile_overlayer_lowered  }
0x9d: {  	s22 =	simm.s32 $0x1BFF;
	s21 =	sshll.u32 s8, $0x1;
	s5 =	sadd.s32 s6, s19  }
0x9e: {  	s9 =	simm.s32 $0x0;
	s20 =	sshll.u32 s7, $0x1;
	s7 =	sadd.s32 s21, s5  }
0x9f: {  	[timem:s9], [sflag:s22] =	dma.local [hbm:s7], s20  }
0xa0: {  	_ =	swait.ge [sflag:s22], s20  }
0xa1: {  	s6 =	ssub.s32 $0x0, s20;
	[sflag:s22] =	ssyncset.done $0x0  }
0xa2: {  	[sflag:s22] =	ssyncadd.s32 s6;
	_ =	sdelay $0x1  }
0xa3: {  	s23 =	simm.s32 $0x1B8B  }
0xa4: {  	_ =	swait.ge [sflag:s23], $0x1  }
0xa5: {  	[sflag:s23] =	ssyncset.done $0x0  }
0xa6: {  	s25 =	simm.s32 $0x1B8E;
	s24 =	sld [smem:$0x3FFE];
	[sflag:s23] =	ssyncadd.s32 $0xFFFFFFFF  }
0xa7: {  	s26 =	simm.s32 $execute0_lowered;
	[smem:$0x3FD2] =	sst s25  }
0xa8: {  	s7 =	sshll.u32 s26, $0x1;
	_ =	strace $0x80000046;
	[dreg:$0x1] =	wrdreg $0xFFFFFFFF  }
0xa9: {  	s28 =	simm.s32 $_size_execute0_lowered;
	s5 =	sadd.s32 s5, s7;
	[dreg:$0x0] =	wrdreg $0x0  }
0xaa: {  	s7 =	sshll.u32 s28, $0x1;
	[dreg:$0x2] =	wrdreg s5  }
0xab: {  	[dreg:$0x3] =	wrdreg s7  }
0xac: {  	[dreg:$0x4] =	wrdreg $0xC0  }
0xad: {  	_ =	task [dreg:s9], $0x5FFFF  }
0xae: {  	[dreg:$0x1] =	wrdreg $0xFFFFFFFF  }
0xaf: {  	[dreg:$0x0] =	wrdreg $0x60  }
0xb0: {  	[dreg:$0x2] =	wrdreg s2  }
0xb1: {  	[dreg:$0x3] =	wrdreg s18  }
0xb2: {  	[dreg:$0x4] =	wrdreg s4  }
0xb3: {  	[dreg:$0x5] =	wrdreg s24  }
0xb4: {  	[dreg:$0x6] =	wrdreg $0x0  }
0xb5: {  	[dreg:$0x7] =	wrdreg $0x9  }
0xb6: {  	_ =	task.clear_ibuf [dreg:s9], $0x8FFFF;
	_ =	strace $0x90000046  }
0xb7: {  	s29 =	simm.s32 $0x9;
	_ =	strace $0x80000048  }
0xb8: {  	_ =	swait.ge [sflag:s29], $0x1  }
0xb9: {  	[sflag:s29] =	ssyncadd.s32 $0xFFFFFFFF  }
0xba: {  	_ =	strace $0x90000048  }
0xbb: {  	_ =	sfence  }
0xbc: {  	s30 =	sld [smem:$0x0];
	_ =	sdelay $0x2  }
0xbd: {  	s31 =	sshll.u32 s1, $0xD;
	s1 =	sshrl.u32 s1, $0x2  }
0xbe: {  	s3 =	sand.u32 $0x4000, s31;
	s1 =	sadd.s32 s1, s30  }
0xbf: {  	s0 =	sor.u32 s3, s0;
	s1 =	sshll.u32 s1, $0x11  }
0xc0: {  	s0 =	sor.u32 s1, s0  }
0xc1: {  	s0 =	sadd.s32 $0x8F2B, s0  }
0xc2: {  	[sflag:s0] =	ssyncadd.remote.s32 $0x1  }
0xc3: {  	_ =	sfence.sel $0xFFFF  }
0xc4: {  	[dreg:$0x0] =	wrdreg $0xFFFFFFFF;
	(pc) =	sbr.abs _section_cstart, $3  }
0xc5: {  	[dreg:$0x1] =	wrdreg $0xFFFFFFFF  }
0xc6: {  	_ =	task.clear_ibuf [dreg:s9], $0x2FFFF;
	_ =	strace $0x9FFFFFFF  }
0xc7: {  	(tm) =	ssettm $0x7FFFFFFF  }
tec
execute0_lowered:
.L_overlay_start_1:
0x0: {  	(tag) =	ssettag $0x1  }
0x1: {  	s0 =	rddreg [dreg:$0x0]  }
0x2: {  	s2 =	rddreg [dreg:$0x1]  }
0x3: {  	s3 =	rddreg [dreg:$0x2]  }
0x4: {  	s1 =	rddreg [dreg:$0x3];
	s4 =	srdreg.scid  }
0x5: {  	s10 =	stileid.u32;
	s5 =	rddreg [dreg:$0x4]  }
0x6: {  	s6 =	simm.s32 $0x0;
	s28 =	simm.s32 $0x2000;
	s29 =	simm.s32 $0x11870  }
0x7: {  	s30 =	simm.s32 $0xD870;
	s31 =	simm.s32 $0x2;
	s4 =	sand.u32 $0x1, s4  }
0x8: {  	s7 =	smul.u32 $0x1870, s10;
	[smem:$0x7FF] =	sst s6;
	s10 =	sshll.u32 s10, $0x13  }
0x9: {  	s8 =	smul.u32 $0x18700, s4;
	s9 =	ssub.s32 $0x2, s4;
	s4 =	sshll.u32 s4, $0x12  }
0xa: {  	_ =	strace $0x80000047;
	s11 =	sshrl.u32 s9, $0x1;
	s4 =	sor.u32 s4, s10  }
0xb: {  	s10 =	simm.s32 $0x15870;
	s8 =	sadd.s32 s7, s8;
	s18 =	ssub.s32 s9, s11  }
0xc: {  	s19 =	sshrl.u32 s4, $0x3;
	s7 =	sadd.s32 s7, s5;
	s14 =	sor.u32 $0x4000, s4  }
0xd: {  	s15 =	sor.u32 $0x6000, s4;
	s4 =	simm.s32 $0x13870;
	s20 =	sadd.s32 s0, s19  }
0xe: {  	s8 =	sshrl.u32 s8, $0x3;
	s22 =	sadd.s32 s2, s19;
	[dreg:$0x6] =	wrdreg s20  }
0xf: {  	s21 =	sor.u32 $0x400, s19;
	s9 =	sadd.s32 s3, s19;
	[dreg:$0x7] =	wrdreg s22  }
0x10: {  	s26 =	smax.u32 s18, $0x1;
	s19 =	simm.s32 $0x5;
	[dreg:$0x8] =	wrdreg s9  }
0x11: {  	s1 =	sadd.s32 s8, s1;
	s23 =	sadd.s32 s0, s21;
	[dreg:$0xd] =	wrdreg s26  }
.Ltmp0:
0x12: {  	s24 =	sadd.s32 s2, s21;
	[dreg:$0x9] =	wrdreg s23;
	(pc) =	sbr.rel .LBB2_1-.Ltmp0, $4  }
0x13: {  	s25 =	sadd.s32 s3, s21;
	s26 =	simm.s32 $0x1;
	[dreg:$0xa] =	wrdreg s24  }
0x14: {  	s21 =	simm.s32 $0x4;
	s22 =	simm.s32 $0x0;
	[dreg:$0xb] =	wrdreg s25  }
0x15: {  	s1 =	sadd.s32 $0x600, s1;
	s23 =	simm.s32 $0x3870;
	s24 =	simm.s32 $0x7870  }
0x16: {  	v0 =	vimm.f32 $0.0e+00;
	s25 =	simm.s32 $0xB870;
	[dreg:$0xc] =	wrdreg s1;
	s1 =	simm.s32 $0xF870  }
.LBB2_10:
0x17: {  	s8 =	simm.s32 $0x3  }
0x18: {  	_ =	swait.ge [sflag:s8], $0x2000  }
0x19: {  	[sflag:s8] =	ssyncset.done $0x0  }
0x1a: {  	[sflag:s8] =	ssyncadd.s32 $0xFFFFE000  }
0x1b: {  	_ =	swait.ge [sflag:s21], $0x2000  }
0x1c: {  	[sflag:s21] =	ssyncset.done $0x0  }
0x1d: {  	[sflag:s21] =	ssyncadd.s32 $0xFFFFE000  }
0x1e: {  	s10 =	simm.s32 $0x15870;
	[bflag:$0x0] =	sbarrier.arrive $0xFFFF  }
0x1f: {  	[tilespmem:s10], [sflag:$0x5] =	stream.linear.gather [spmem:s7], $0x1870, $0x38;
	[tilespmem:$0x170F0] =	vst v63  }
0x20: {  	_ =	swait.ge [sflag:s19], $0x1870  }
0x21: {  	[sflag:s19] =	ssyncset.done $0x0  }
0x22: {  	s18 =	rddreg [dreg:$0xc];
	[sflag:s19] =	ssyncadd.s32 $0xFFFFE790  }
0x23: {  	[hbm4b:s18+s6] =	stream.linear.scatter [tilespmem:s10], [sflag:$0x5], $0x1870, $0x38;
	[tilespmem:$0x170F0] =	vst v63  }
0x24: {  	_ =	swait.ge [sflag:s19], $0x1870  }
0x25: {  	s22 =	sadd.s32 $0x1, s22;
	s20 =	rddreg [dreg:$0xd]  }
0x26: {  	p0 =	sne.s32 s22, s20  }
.Ltmp1:
0x27: {  	_ = 	snop;
	(pc) =	sbr.rel @!p0 .LBB2_11-.Ltmp1, $3  }
0x28: {  	_ =	sdelay $0x1  }
0x29: {  	[sflag:s19] =	ssyncset.done $0x0  }
0x2a: {  	[sflag:s19] =	ssyncadd.s32 $0xFFFFE790  }
.LBB2_1:
0x2b: {  	s8 =	simm.s32 $0x40;
	s9 =	simm.s32 $0x0  }
.LBB2_2:
0x2c: {  	p0 =	sne.s32 s8, $0x6180;
	[tilespmem:s9+$0x15870] =	vst v0;
	s9 =	smov.u32 s8;
	s8 =	sadd.s32 $0x40, s8  }
.Ltmp2:
0x2d: {  	(pc) =	sbr.rel @p0 .LBB2_2-.Ltmp2, $2  }
0x2e: {  	_ =	sdelay $0x2  }
0x2f: {  	s9 =	sshra.s32 s9, $0x2  }
0x30: {  	[tilespmem:s9+$0x15870] =	vst v0  }
0x31: {  	[spmem:s7] =	stream.linear.scatter [tilespmem:s10], [sflag:$0x5], $0x1870, $0x38;
	[tilespmem:$0x170F0] =	vst v63  }
0x32: {  	_ =	swait.ge [sflag:s19], $0x1870  }
0x33: {  	[sflag:s19] =	ssyncset.done $0x0  }
0x34: {  	[sflag:s19] =	ssyncadd.s32 $0xFFFFE790  }
0x35: {  	[bflag:$0x0] =	sbarrier.arrive $0xFFFF  }
0x36: {  	s8 =	simm.s32 $0x0;
	s20 =	simm.s32 $0x1870;
	s18 =	rddreg [dreg:$0x6]  }
0x37: {  	[tilespmem:s20], [sflag:$0x1] =	stream.linear.gather [hbm4b:s18+s8], $0x2000, $0x38;
	[tilespmem:$0x170F0] =	vst v63  }
0x38: {  	s12 =	simm.s32 $0x5870;
	s11 =	rddreg [dreg:$0x7]  }
0x39: {  	[tilespmem:s12], [sflag:$0x1] =	stream.linear.gather [hbm4b:s11+s8], $0x2000, $0x38;
	[tilespmem:$0x170F0] =	vst v63  }
0x3a: {  	s16 =	simm.s32 $0x9870;
	s13 =	rddreg [dreg:$0x8]  }
0x3b: {  	[tilespmem:s16], [sflag:$0x1] =	stream.linear.gather [hbm4b:s13+s8], $0x2000, $0x38;
	[tilespmem:$0x170F0] =	vst v63  }
0x3c: {  	s17 =	rddreg [dreg:$0x9]  }
0x3d: {  	[tilespmem:s23], [sflag:$0x2] =	stream.linear.gather [hbm4b:s17+s8], $0x2000, $0x38;
	[tilespmem:$0x170F0] =	vst v63  }
0x3e: {  	s18 =	rddreg [dreg:$0xa]  }
0x3f: {  	[tilespmem:s24], [sflag:$0x2] =	stream.linear.gather [hbm4b:s18+s8], $0x2000, $0x38;
	[tilespmem:$0x170F0] =	vst v63  }
0x40: {  	s20 =	rddreg [dreg:$0xb]  }
0x41: {  	[tilespmem:s25], [sflag:$0x2] =	stream.linear.gather [hbm4b:s20+s8], $0x2000, $0x38;
	[tilespmem:$0x170F0] =	vst v63  }
.LBB2_4:
0x42: {  	_ =	swait.ge [sflag:s26], $0x2000  }
0x43: {  	[sflag:s26] =	ssyncset.done $0x0  }
0x44: {  	[sflag:s26] =	ssyncadd.s32 $0xFFFFE000  }
0x45: {  	_ =	swait.ge [sflag:s26], $0x2000  }
0x46: {  	[sflag:s26] =	ssyncset.done $0x0  }
0x47: {  	[sflag:s26] =	ssyncadd.s32 $0xFFFFE000  }
0x48: {  	_ =	swait.ge [sflag:s26], $0x2000  }
0x49: {  	p0 =	seq.s32 s8, $0x0;
	[sflag:s26] =	ssyncset.done $0x0  }
0x4a: {  	s9 =	simm.s32 @!p0 $0x3;
	[sflag:s26] =	ssyncadd.s32 $0xFFFFE000  }
0x4b: {  	_ =	swait.ge @!p0 [sflag:s9], $0x2000  }
0x4c: {  	[sflag:s9] =	ssyncset.done @!p0 $0x0  }
0x4d: {  	s20 =	simm.s32 $0x98B0;
	[sflag:s9] =	ssyncadd.s32 @!p0 $0xFFFFE000  }
0x4e: {  	v1 =	vld [tilespmem:s20+$0xFFFFFFC0];
	_ =	sdelay $0x1  }
0x4f: {  	s10 =	simm.s32 $0x18B0  }
0x50: {  	s11 =	simm.s32 $0x58B0;
	v2 =	vld [tilespmem:s10+$0xFFFFFFC0]  }
0x51: {  	v3 =	vld [tilespmem:s11+$0xFFFFFFC0]  }
0x52: {  	v1 =	vmul.f32 $1.000000000e+05, v1;
	_ =	sdelay $0x1  }
0x53: {  	v1 =	vtrunc.f32 v1  }
0x54: {  	v1 =	vcvt.f32.s32 v1  }
0x55: {  	v2 =	vsub.f32 v2, v3  }
0x56: {  	s12 =	simm.s32 $0xD8B0;
	vm0 =	vlt.s32 v1, $0x1869F  }
0x57: {  	s13 =	simm.s32 $0x118B0;
	[tilespmem:s12+$0xFFFFFFC0] =	vst v2;
	v1 =	vnsel vm0, $0x1869F, v1  }
0x58: {  	[tilespmem:s13+$0xFFFFFFC0] =	vst v1  }
0x59: {  	v1 =	vld [tilespmem:s20+$0xFFFFFFD0];
	_ =	sdelay $0x2  }
0x5a: {  	v2 =	vld [tilespmem:s11+$0xFFFFFFD0]  }
0x5b: {  	v3 =	vld [tilespmem:s10+$0xFFFFFFD0]  }
0x5c: {  	v1 =	vmul.f32 $1.000000000e+05, v1;
	_ =	sdelay $0x1  }
0x5d: {  	v1 =	vtrunc.f32 v1  }
0x5e: {  	v1 =	vcvt.f32.s32 v1  }
0x5f: {  	v2 =	vsub.f32 v3, v2  }
0x60: {  	vm10 =	vlt.s32 v1, $0x1869F  }
0x61: {  	[tilespmem:s12+$0xFFFFFFD0] =	vst v2;
	v1 =	vnsel vm10, $0x1869F, v1  }
0x62: {  	[tilespmem:s13+$0xFFFFFFD0] =	vst v1  }
0x63: {  	v1 =	vld [tilespmem:s20+$0xFFFFFFE0];
	_ =	sdelay $0x2  }
0x64: {  	v2 =	vld [tilespmem:s11+$0xFFFFFFE0]  }
0x65: {  	v3 =	vld [tilespmem:s10+$0xFFFFFFE0]  }
0x66: {  	v1 =	vmul.f32 $1.000000000e+05, v1;
	_ =	sdelay $0x1  }
0x67: {  	v1 =	vtrunc.f32 v1  }
0x68: {  	v1 =	vcvt.f32.s32 v1  }
0x69: {  	v2 =	vsub.f32 v3, v2  }
0x6a: {  	vm11 =	vlt.s32 v1, $0x1869F  }
0x6b: {  	[tilespmem:s12+$0xFFFFFFE0] =	vst v2;
	v1 =	vnsel vm11, $0x1869F, v1  }
0x6c: {  	[tilespmem:s13+$0xFFFFFFE0] =	vst v1  }
0x6d: {  	v1 =	vld [tilespmem:s20+$0xFFFFFFF0];
	_ =	sdelay $0x2  }
0x6e: {  	v2 =	vld [tilespmem:s11+$0xFFFFFFF0]  }
0x6f: {  	v3 =	vld [tilespmem:s10+$0xFFFFFFF0]  }
0x70: {  	v1 =	vmul.f32 $1.000000000e+05, v1;
	_ =	sdelay $0x1  }
0x71: {  	v1 =	vtrunc.f32 v1  }
0x72: {  	v1 =	vcvt.f32.s32 v1  }
0x73: {  	v2 =	vsub.f32 v3, v2  }
0x74: {  	vm12 =	vlt.s32 v1, $0x1869F  }
0x75: {  	[tilespmem:s12+$0xFFFFFFF0] =	vst v2;
	v1 =	vnsel vm12, $0x1869F, v1  }
0x76: {  	[tilespmem:s13+$0xFFFFFFF0] =	vst v1  }
0x77: {  	v1 =	vld [tilespmem:s20+$0x0];
	_ =	sdelay $0x2  }
0x78: {  	v2 =	vld [tilespmem:s10+$0x0]  }
0x79: {  	v3 =	vld [tilespmem:s11+$0x0]  }
0x7a: {  	v1 =	vmul.f32 $1.000000000e+05, v1;
	_ =	sdelay $0x1  }
0x7b: {  	v1 =	vtrunc.f32 v1  }
0x7c: {  	v1 =	vcvt.f32.s32 v1  }
0x7d: {  	v2 =	vsub.f32 v2, v3  }
0x7e: {  	vm13 =	vlt.s32 v1, $0x1869F  }
0x7f: {  	[tilespmem:s12+$0x0] =	vst v2;
	v1 =	vnsel vm13, $0x1869F, v1  }
0x80: {  	[tilespmem:s13+$0x0] =	vst v1  }
0x81: {  	v1 =	vld [tilespmem:s20+$0x10];
	_ =	sdelay $0x2  }
0x82: {  	v2 =	vld [tilespmem:s10+$0x10]  }
0x83: {  	v3 =	vld [tilespmem:s11+$0x10]  }
0x84: {  	v1 =	vmul.f32 $1.000000000e+05, v1;
	_ =	sdelay $0x1  }
0x85: {  	v1 =	vtrunc.f32 v1  }
0x86: {  	v1 =	vcvt.f32.s32 v1  }
0x87: {  	v2 =	vsub.f32 v2, v3  }
0x88: {  	vm14 =	vlt.s32 v1, $0x1869F  }
0x89: {  	[tilespmem:s12+$0x10] =	vst v2;
	v1 =	vnsel vm14, $0x1869F, v1  }
0x8a: {  	[tilespmem:s13+$0x10] =	vst v1  }
0x8b: {  	v1 =	vld [tilespmem:s20+$0x20];
	_ =	sdelay $0x2  }
0x8c: {  	v2 =	vld [tilespmem:s10+$0x20]  }
0x8d: {  	v3 =	vld [tilespmem:s11+$0x20]  }
0x8e: {  	v1 =	vmul.f32 $1.000000000e+05, v1;
	_ =	sdelay $0x1  }
0x8f: {  	v1 =	vtrunc.f32 v1  }
0x90: {  	v1 =	vcvt.f32.s32 v1  }
0x91: {  	v2 =	vsub.f32 v2, v3  }
0x92: {  	vm15 =	vlt.s32 v1, $0x1869F  }
0x93: {  	[tilespmem:s12+$0x20] =	vst v2;
	v1 =	vnsel vm15, $0x1869F, v1  }
0x94: {  	[tilespmem:s13+$0x20] =	vst v1  }
0x95: {  	v1 =	vld [tilespmem:s20+$0x30]  }
0x96: {  	v2 =	vld [tilespmem:s10+$0x30]  }
0x97: {  	v3 =	vld [tilespmem:s11+$0x30];
	_ =	sdelay $0x2  }
0x98: {  	v4 =	vmul.f32 $1.000000000e+05, v1  }
0x99: {  	s16 =	simm.s32 $0x0;
	s17 =	simm.s32 $0x9930  }
0x9a: {  	s18 =	simm.s32 $0xD930;
	s9 =	sshll.u32 s8, $0xE;
	s20 =	simm.s32 $0x11930;
	v1 =	vsub.f32 v2, v3;
	v2 =	vtrunc.f32 v4  }
.LBB2_5:
0x9b: {  	s16 =	sadd.s32 $0x8, s16;
	v2 =	vcvt.f32.s32 v2;
	s10 =	sadd.s32 $0x80, s10;
	s11 =	sadd.s32 $0x80, s11  }
0x9c: {  	p1 =	slt.u32 s16, $0x1F8  }
0x9d: {  	vm0 =	vlt.s32 v2, $0x1869F  }
0x9e: {  	v2 =	vnsel vm0, $0x1869F, v2;
	[tilespmem:s12+$0x30] =	vst v1;
	s12 =	smov.u32 s18  }
0x9f: {  	[tilespmem:s13+$0x30] =	vst v2;
	s13 =	smov.u32 s20  }
0xa0: {  	v1 =	vld [tilespmem:s17+$0xFFFFFFC0];
	_ =	sdelay $0x2  }
0xa1: {  	v2 =	vld [tilespmem:s10+$0xFFFFFFC0]  }
0xa2: {  	v3 =	vld [tilespmem:s11+$0xFFFFFFC0]  }
0xa3: {  	v1 =	vmul.f32 $1.000000000e+05, v1;
	_ =	sdelay $0x1  }
0xa4: {  	v1 =	vtrunc.f32 v1  }
0xa5: {  	v1 =	vcvt.f32.s32 v1  }
0xa6: {  	v2 =	vsub.f32 v2, v3  }
0xa7: {  	vm0 =	vlt.s32 v1, $0x1869F  }
0xa8: {  	v1 =	vnsel vm0, $0x1869F, v1;
	[tilespmem:s18+$0xFFFFFFC0] =	vst v2  }
0xa9: {  	[tilespmem:s20+$0xFFFFFFC0] =	vst v1  }
0xaa: {  	v1 =	vld [tilespmem:s17+$0xFFFFFFD0]  }
0xab: {  	v2 =	vld [tilespmem:s11+$0xFFFFFFD0]  }
0xac: {  	v3 =	vld [tilespmem:s10+$0xFFFFFFD0];
	_ =	sdelay $0x2  }
0xad: {  	v1 =	vmul.f32 $1.000000000e+05, v1;
	_ =	sdelay $0x1  }
0xae: {  	v2 =	vsub.f32 v3, v2;
	v1 =	vtrunc.f32 v1  }
0xaf: {  	v1 =	vcvt.f32.s32 v1  }
0xb0: {  	[tilespmem:s18+$0xFFFFFFD0] =	vst v2  }
0xb1: {  	vm0 =	vlt.s32 v1, $0x1869F  }
0xb2: {  	v1 =	vnsel vm0, $0x1869F, v1  }
0xb3: {  	[tilespmem:s20+$0xFFFFFFD0] =	vst v1  }
0xb4: {  	v1 =	vld [tilespmem:s17+$0xFFFFFFE0]  }
0xb5: {  	v2 =	vld [tilespmem:s11+$0xFFFFFFE0]  }
0xb6: {  	v3 =	vld [tilespmem:s10+$0xFFFFFFE0];
	_ =	sdelay $0x2  }
0xb7: {  	v1 =	vmul.f32 $1.000000000e+05, v1;
	_ =	sdelay $0x1  }
0xb8: {  	v2 =	vsub.f32 v3, v2;
	v1 =	vtrunc.f32 v1  }
0xb9: {  	v1 =	vcvt.f32.s32 v1  }
0xba: {  	[tilespmem:s18+$0xFFFFFFE0] =	vst v2  }
0xbb: {  	vm0 =	vlt.s32 v1, $0x1869F  }
0xbc: {  	v1 =	vnsel vm0, $0x1869F, v1  }
0xbd: {  	[tilespmem:s20+$0xFFFFFFE0] =	vst v1  }
0xbe: {  	v1 =	vld [tilespmem:s17+$0xFFFFFFF0]  }
0xbf: {  	v2 =	vld [tilespmem:s11+$0xFFFFFFF0]  }
0xc0: {  	v3 =	vld [tilespmem:s10+$0xFFFFFFF0];
	_ =	sdelay $0x2  }
0xc1: {  	v1 =	vmul.f32 $1.000000000e+05, v1;
	_ =	sdelay $0x1  }
0xc2: {  	v2 =	vsub.f32 v3, v2;
	v1 =	vtrunc.f32 v1  }
0xc3: {  	v1 =	vcvt.f32.s32 v1  }
0xc4: {  	[tilespmem:s18+$0xFFFFFFF0] =	vst v2  }
0xc5: {  	vm0 =	vlt.s32 v1, $0x1869F  }
0xc6: {  	v1 =	vnsel vm0, $0x1869F, v1  }
0xc7: {  	[tilespmem:s20+$0xFFFFFFF0] =	vst v1  }
0xc8: {  	v1 =	vld [tilespmem:s10+$0x0]  }
0xc9: {  	v2 =	vld [tilespmem:s17+$0x0]  }
0xca: {  	v3 =	vld [tilespmem:s11+$0x0];
	_ =	sdelay $0x3  }
0xcb: {  	v2 =	vmul.f32 $1.000000000e+05, v2  }
0xcc: {  	v1 =	vsub.f32 v1, v3  }
0xcd: {  	v2 =	vtrunc.f32 v2  }
0xce: {  	v2 =	vcvt.f32.s32 v2;
	[tilespmem:s18+$0x0] =	vst v1;
	_ =	sdelay $0x1  }
0xcf: {  	vm0 =	vlt.s32 v2, $0x1869F  }
0xd0: {  	v1 =	vnsel vm0, $0x1869F, v2  }
0xd1: {  	[tilespmem:s20+$0x0] =	vst v1  }
0xd2: {  	v1 =	vld [tilespmem:s10+$0x10]  }
0xd3: {  	v2 =	vld [tilespmem:s17+$0x10]  }
0xd4: {  	v3 =	vld [tilespmem:s11+$0x10];
	_ =	sdelay $0x3  }
0xd5: {  	v2 =	vmul.f32 $1.000000000e+05, v2  }
0xd6: {  	v1 =	vsub.f32 v1, v3  }
0xd7: {  	v2 =	vtrunc.f32 v2  }
0xd8: {  	v2 =	vcvt.f32.s32 v2;
	[tilespmem:s18+$0x10] =	vst v1;
	_ =	sdelay $0x1  }
0xd9: {  	vm0 =	vlt.s32 v2, $0x1869F  }
0xda: {  	v1 =	vnsel vm0, $0x1869F, v2  }
0xdb: {  	[tilespmem:s20+$0x10] =	vst v1  }
0xdc: {  	v1 =	vld [tilespmem:s17+$0x20]  }
0xdd: {  	v2 =	vld [tilespmem:s10+$0x20]  }
0xde: {  	v3 =	vld [tilespmem:s11+$0x20];
	_ =	sdelay $0x2  }
0xdf: {  	v1 =	vmul.f32 $1.000000000e+05, v1;
	_ =	sdelay $0x1  }
0xe0: {  	v2 =	vsub.f32 v2, v3;
	v1 =	vtrunc.f32 v1  }
0xe1: {  	v1 =	vcvt.f32.s32 v1  }
0xe2: {  	[tilespmem:s18+$0x20] =	vst v2  }
0xe3: {  	vm0 =	vlt.s32 v1, $0x1869F  }
0xe4: {  	v1 =	vnsel vm0, $0x1869F, v1  }
0xe5: {  	[tilespmem:s20+$0x20] =	vst v1  }
0xe6: {  	v1 =	vld [tilespmem:s17+$0x30]  }
0xe7: {  	v2 =	vld [tilespmem:s10+$0x30]  }
0xe8: {  	v3 =	vld [tilespmem:s11+$0x30]  }
.Ltmp3:
0xe9: {  	(pc) =	sbr.rel @p1 .LBB2_5-.Ltmp3, $3  }
0xea: {  	_ = 	snop  }
0xeb: {  	v4 =	vmul.f32 $1.000000000e+05, v1;
	_ =	sdelay $0x1  }
0xec: {  	s18 =	sadd.s32 $0x80, s18;
	s20 =	sadd.s32 $0x80, s20;
	s17 =	sadd.s32 $0x80, s17;
	v1 =	vsub.f32 v2, v3;
	v2 =	vtrunc.f32 v4  }
0xed: {  	v2 =	vcvt.f32.s32 v2;
	_ =	sdelay $0x1  }
0xee: {  	p1 =	seq.s32 s8, $0xF;
	vm0 =	vlt.s32 v2, $0x1869F  }
0xef: {  	[tilespmem:s12+$0x30] =	vst v1;
	s10 =	sadd.s32 @!p1 s9, s14;
	v2 =	vnsel vm0, $0x1869F, v2  }
0xf0: {  	s10 =	sshrl.u32 @!p1 s10, $0x3;
	[tilespmem:s13+$0x30] =	vst v2  }
0xf1: {  	[spmem:s5] =	stream.indirect.scatter.add.f32 [tilespmem:s30], [sflag:$0x3], $0x1, s29, s28, $0xb8;
	[tilespmem:$0x170F0] =	vst v63  }
0xf2: {  	s12 =	simm.s32 @!p1 $0x0;
	s11 =	sadd.s32 @!p1 s0, s10;
	s13 =	simm.s32 @!p1 $0x1870  }
0xf3: {  	[tilespmem:s13], [sflag:$0x1] =	stream.linear.gather @!p1 [hbm4b:s11+s12], $0x2000, $0x38;
	[tilespmem:$0x170F0] =	vst v63  }
0xf4: {  	s11 =	sadd.s32 @!p1 s2, s10;
	s13 =	simm.s32 @!p1 $0x5870  }
0xf5: {  	[tilespmem:s13], [sflag:$0x1] =	stream.linear.gather @!p1 [hbm4b:s11+s12], $0x2000, $0x38;
	[tilespmem:$0x170F0] =	vst v63  }
0xf6: {  	s10 =	sadd.s32 @!p1 s3, s10;
	s11 =	simm.s32 @!p1 $0x9870  }
0xf7: {  	[tilespmem:s11], [sflag:$0x1] =	stream.linear.gather @!p1 [hbm4b:s10+s12], $0x2000, $0x38;
	[tilespmem:$0x170F0] =	vst v63  }
0xf8: {  	_ =	swait.ge [sflag:s31], $0x2000  }
0xf9: {  	[sflag:s31] =	ssyncset.done $0x0  }
0xfa: {  	[sflag:s31] =	ssyncadd.s32 $0xFFFFE000  }
0xfb: {  	_ =	swait.ge [sflag:s31], $0x2000  }
0xfc: {  	[sflag:s31] =	ssyncset.done $0x0  }
0xfd: {  	[sflag:s31] =	ssyncadd.s32 $0xFFFFE000  }
0xfe: {  	_ =	swait.ge [sflag:s31], $0x2000  }
0xff: {  	[sflag:s31] =	ssyncset.done $0x0  }
0x100: {  	s10 =	simm.s32 @!p0 $0x4;
	[sflag:s31] =	ssyncadd.s32 $0xFFFFE000  }
0x101: {  	_ =	swait.ge @!p0 [sflag:s10], $0x2000  }
0x102: {  	[sflag:s10] =	ssyncset.done @!p0 $0x0  }
0x103: {  	s16 =	simm.s32 $0xB8B0;
	[sflag:s10] =	ssyncadd.s32 @!p0 $0xFFFFE000  }
0x104: {  	v1 =	vld [tilespmem:s16+$0xFFFFFFC0];
	_ =	sdelay $0x1  }
0x105: {  	s10 =	simm.s32 $0x38B0  }
0x106: {  	s11 =	simm.s32 $0x78B0;
	v2 =	vld [tilespmem:s10+$0xFFFFFFC0]  }
0x107: {  	v3 =	vld [tilespmem:s11+$0xFFFFFFC0]  }
0x108: {  	v1 =	vmul.f32 $1.000000000e+05, v1;
	_ =	sdelay $0x1  }
0x109: {  	v1 =	vtrunc.f32 v1  }
0x10a: {  	v1 =	vcvt.f32.s32 v1  }
0x10b: {  	v2 =	vsub.f32 v2, v3  }
0x10c: {  	s12 =	simm.s32 $0xF8B0;
	vm9 =	vlt.s32 v1, $0x1869F  }
0x10d: {  	s13 =	simm.s32 $0x138B0;
	[tilespmem:s12+$0xFFFFFFC0] =	vst v2;
	v1 =	vnsel vm9, $0x1869F, v1  }
0x10e: {  	[tilespmem:s13+$0xFFFFFFC0] =	vst v1  }
0x10f: {  	v1 =	vld [tilespmem:s16+$0xFFFFFFD0];
	_ =	sdelay $0x2  }
0x110: {  	v2 =	vld [tilespmem:s11+$0xFFFFFFD0]  }
0x111: {  	v3 =	vld [tilespmem:s10+$0xFFFFFFD0]  }
0x112: {  	v1 =	vmul.f32 $1.000000000e+05, v1;
	_ =	sdelay $0x1  }
0x113: {  	v1 =	vtrunc.f32 v1  }
0x114: {  	v1 =	vcvt.f32.s32 v1  }
0x115: {  	v2 =	vsub.f32 v3, v2  }
0x116: {  	vm10 =	vlt.s32 v1, $0x1869F  }
0x117: {  	[tilespmem:s12+$0xFFFFFFD0] =	vst v2;
	v1 =	vnsel vm10, $0x1869F, v1  }
0x118: {  	[tilespmem:s13+$0xFFFFFFD0] =	vst v1  }
0x119: {  	v1 =	vld [tilespmem:s16+$0xFFFFFFE0];
	_ =	sdelay $0x2  }
0x11a: {  	v2 =	vld [tilespmem:s11+$0xFFFFFFE0]  }
0x11b: {  	v3 =	vld [tilespmem:s10+$0xFFFFFFE0]  }
0x11c: {  	v1 =	vmul.f32 $1.000000000e+05, v1;
	_ =	sdelay $0x1  }
0x11d: {  	v1 =	vtrunc.f32 v1  }
0x11e: {  	v1 =	vcvt.f32.s32 v1  }
0x11f: {  	v2 =	vsub.f32 v3, v2  }
0x120: {  	vm11 =	vlt.s32 v1, $0x1869F  }
0x121: {  	[tilespmem:s12+$0xFFFFFFE0] =	vst v2;
	v1 =	vnsel vm11, $0x1869F, v1  }
0x122: {  	[tilespmem:s13+$0xFFFFFFE0] =	vst v1  }
0x123: {  	v1 =	vld [tilespmem:s16+$0xFFFFFFF0];
	_ =	sdelay $0x2  }
0x124: {  	v2 =	vld [tilespmem:s11+$0xFFFFFFF0]  }
0x125: {  	v3 =	vld [tilespmem:s10+$0xFFFFFFF0]  }
0x126: {  	v1 =	vmul.f32 $1.000000000e+05, v1;
	_ =	sdelay $0x1  }
0x127: {  	v1 =	vtrunc.f32 v1  }
0x128: {  	v1 =	vcvt.f32.s32 v1  }
0x129: {  	v2 =	vsub.f32 v3, v2  }
0x12a: {  	vm12 =	vlt.s32 v1, $0x1869F  }
0x12b: {  	[tilespmem:s12+$0xFFFFFFF0] =	vst v2;
	v1 =	vnsel vm12, $0x1869F, v1  }
0x12c: {  	[tilespmem:s13+$0xFFFFFFF0] =	vst v1  }
0x12d: {  	v1 =	vld [tilespmem:s16+$0x0];
	_ =	sdelay $0x2  }
0x12e: {  	v2 =	vld [tilespmem:s10+$0x0]  }
0x12f: {  	v3 =	vld [tilespmem:s11+$0x0]  }
0x130: {  	v1 =	vmul.f32 $1.000000000e+05, v1;
	_ =	sdelay $0x1  }
0x131: {  	v1 =	vtrunc.f32 v1  }
0x132: {  	v1 =	vcvt.f32.s32 v1  }
0x133: {  	v2 =	vsub.f32 v2, v3  }
0x134: {  	vm13 =	vlt.s32 v1, $0x1869F  }
0x135: {  	[tilespmem:s12+$0x0] =	vst v2;
	v1 =	vnsel vm13, $0x1869F, v1  }
0x136: {  	[tilespmem:s13+$0x0] =	vst v1  }
0x137: {  	v1 =	vld [tilespmem:s16+$0x10];
	_ =	sdelay $0x2  }
0x138: {  	v2 =	vld [tilespmem:s10+$0x10]  }
0x139: {  	v3 =	vld [tilespmem:s11+$0x10]  }
0x13a: {  	v1 =	vmul.f32 $1.000000000e+05, v1;
	_ =	sdelay $0x1  }
0x13b: {  	v1 =	vtrunc.f32 v1  }
0x13c: {  	v1 =	vcvt.f32.s32 v1  }
0x13d: {  	v2 =	vsub.f32 v2, v3  }
0x13e: {  	vm14 =	vlt.s32 v1, $0x1869F  }
0x13f: {  	[tilespmem:s12+$0x10] =	vst v2;
	v1 =	vnsel vm14, $0x1869F, v1  }
0x140: {  	[tilespmem:s13+$0x10] =	vst v1  }
0x141: {  	v1 =	vld [tilespmem:s16+$0x20];
	_ =	sdelay $0x2  }
0x142: {  	v2 =	vld [tilespmem:s10+$0x20]  }
0x143: {  	v3 =	vld [tilespmem:s11+$0x20]  }
0x144: {  	v1 =	vmul.f32 $1.000000000e+05, v1;
	_ =	sdelay $0x1  }
0x145: {  	v1 =	vtrunc.f32 v1  }
0x146: {  	v1 =	vcvt.f32.s32 v1  }
0x147: {  	v2 =	vsub.f32 v2, v3  }
0x148: {  	vm15 =	vlt.s32 v1, $0x1869F  }
0x149: {  	[tilespmem:s12+$0x20] =	vst v2;
	v1 =	vnsel vm15, $0x1869F, v1  }
0x14a: {  	[tilespmem:s13+$0x20] =	vst v1  }
0x14b: {  	v1 =	vld [tilespmem:s16+$0x30]  }
0x14c: {  	v2 =	vld [tilespmem:s10+$0x30]  }
0x14d: {  	v3 =	vld [tilespmem:s11+$0x30];
	_ =	sdelay $0x2  }
0x14e: {  	v4 =	vmul.f32 $1.000000000e+05, v1  }
0x14f: {  	s17 =	simm.s32 $0xB930  }
0x150: {  	s18 =	simm.s32 $0xF930;
	s20 =	simm.s32 $0x13930;
	s16 =	simm.s32 $0x0;
	v1 =	vsub.f32 v2, v3;
	v2 =	vtrunc.f32 v4  }
.LBB2_7:
0x151: {  	s16 =	sadd.s32 $0x8, s16;
	v2 =	vcvt.f32.s32 v2;
	s10 =	sadd.s32 $0x80, s10;
	s11 =	sadd.s32 $0x80, s11  }
0x152: {  	p0 =	slt.u32 s16, $0x1F8  }
0x153: {  	vm0 =	vlt.s32 v2, $0x1869F  }
0x154: {  	v2 =	vnsel vm0, $0x1869F, v2;
	[tilespmem:s12+$0x30] =	vst v1;
	s12 =	smov.u32 s18  }
0x155: {  	[tilespmem:s13+$0x30] =	vst v2;
	s13 =	smov.u32 s20  }
0x156: {  	v1 =	vld [tilespmem:s17+$0xFFFFFFC0];
	_ =	sdelay $0x2  }
0x157: {  	v2 =	vld [tilespmem:s10+$0xFFFFFFC0]  }
0x158: {  	v3 =	vld [tilespmem:s11+$0xFFFFFFC0]  }
0x159: {  	v1 =	vmul.f32 $1.000000000e+05, v1;
	_ =	sdelay $0x1  }
0x15a: {  	v1 =	vtrunc.f32 v1  }
0x15b: {  	v1 =	vcvt.f32.s32 v1  }
0x15c: {  	v2 =	vsub.f32 v2, v3  }
0x15d: {  	vm0 =	vlt.s32 v1, $0x1869F  }
0x15e: {  	v1 =	vnsel vm0, $0x1869F, v1;
	[tilespmem:s18+$0xFFFFFFC0] =	vst v2  }
0x15f: {  	[tilespmem:s20+$0xFFFFFFC0] =	vst v1  }
0x160: {  	v1 =	vld [tilespmem:s17+$0xFFFFFFD0]  }
0x161: {  	v2 =	vld [tilespmem:s11+$0xFFFFFFD0]  }
0x162: {  	v3 =	vld [tilespmem:s10+$0xFFFFFFD0];
	_ =	sdelay $0x2  }
0x163: {  	v1 =	vmul.f32 $1.000000000e+05, v1;
	_ =	sdelay $0x1  }
0x164: {  	v2 =	vsub.f32 v3, v2;
	v1 =	vtrunc.f32 v1  }
0x165: {  	v1 =	vcvt.f32.s32 v1  }
0x166: {  	[tilespmem:s18+$0xFFFFFFD0] =	vst v2  }
0x167: {  	vm0 =	vlt.s32 v1, $0x1869F  }
0x168: {  	v1 =	vnsel vm0, $0x1869F, v1  }
0x169: {  	[tilespmem:s20+$0xFFFFFFD0] =	vst v1  }
0x16a: {  	v1 =	vld [tilespmem:s17+$0xFFFFFFE0]  }
0x16b: {  	v2 =	vld [tilespmem:s11+$0xFFFFFFE0]  }
0x16c: {  	v3 =	vld [tilespmem:s10+$0xFFFFFFE0];
	_ =	sdelay $0x2  }
0x16d: {  	v1 =	vmul.f32 $1.000000000e+05, v1;
	_ =	sdelay $0x1  }
0x16e: {  	v2 =	vsub.f32 v3, v2;
	v1 =	vtrunc.f32 v1  }
0x16f: {  	v1 =	vcvt.f32.s32 v1  }
0x170: {  	[tilespmem:s18+$0xFFFFFFE0] =	vst v2  }
0x171: {  	vm0 =	vlt.s32 v1, $0x1869F  }
0x172: {  	v1 =	vnsel vm0, $0x1869F, v1  }
0x173: {  	[tilespmem:s20+$0xFFFFFFE0] =	vst v1  }
0x174: {  	v1 =	vld [tilespmem:s17+$0xFFFFFFF0]  }
0x175: {  	v2 =	vld [tilespmem:s11+$0xFFFFFFF0]  }
0x176: {  	v3 =	vld [tilespmem:s10+$0xFFFFFFF0];
	_ =	sdelay $0x2  }
0x177: {  	v1 =	vmul.f32 $1.000000000e+05, v1;
	_ =	sdelay $0x1  }
0x178: {  	v2 =	vsub.f32 v3, v2;
	v1 =	vtrunc.f32 v1  }
0x179: {  	v1 =	vcvt.f32.s32 v1  }
0x17a: {  	[tilespmem:s18+$0xFFFFFFF0] =	vst v2  }
0x17b: {  	vm0 =	vlt.s32 v1, $0x1869F  }
0x17c: {  	v1 =	vnsel vm0, $0x1869F, v1  }
0x17d: {  	[tilespmem:s20+$0xFFFFFFF0] =	vst v1  }
0x17e: {  	v1 =	vld [tilespmem:s10+$0x0]  }
0x17f: {  	v2 =	vld [tilespmem:s17+$0x0]  }
0x180: {  	v3 =	vld [tilespmem:s11+$0x0];
	_ =	sdelay $0x3  }
0x181: {  	v2 =	vmul.f32 $1.000000000e+05, v2  }
0x182: {  	v1 =	vsub.f32 v1, v3  }
0x183: {  	v2 =	vtrunc.f32 v2  }
0x184: {  	v2 =	vcvt.f32.s32 v2;
	[tilespmem:s18+$0x0] =	vst v1;
	_ =	sdelay $0x1  }
0x185: {  	vm0 =	vlt.s32 v2, $0x1869F  }
0x186: {  	v1 =	vnsel vm0, $0x1869F, v2  }
0x187: {  	[tilespmem:s20+$0x0] =	vst v1  }
0x188: {  	v1 =	vld [tilespmem:s10+$0x10]  }
0x189: {  	v2 =	vld [tilespmem:s17+$0x10]  }
0x18a: {  	v3 =	vld [tilespmem:s11+$0x10];
	_ =	sdelay $0x3  }
0x18b: {  	v2 =	vmul.f32 $1.000000000e+05, v2  }
0x18c: {  	v1 =	vsub.f32 v1, v3  }
0x18d: {  	v2 =	vtrunc.f32 v2  }
0x18e: {  	v2 =	vcvt.f32.s32 v2;
	[tilespmem:s18+$0x10] =	vst v1;
	_ =	sdelay $0x1  }
0x18f: {  	vm0 =	vlt.s32 v2, $0x1869F  }
0x190: {  	v1 =	vnsel vm0, $0x1869F, v2  }
0x191: {  	[tilespmem:s20+$0x10] =	vst v1  }
0x192: {  	v1 =	vld [tilespmem:s17+$0x20]  }
0x193: {  	v2 =	vld [tilespmem:s10+$0x20]  }
0x194: {  	v3 =	vld [tilespmem:s11+$0x20];
	_ =	sdelay $0x2  }
0x195: {  	v1 =	vmul.f32 $1.000000000e+05, v1;
	_ =	sdelay $0x1  }
0x196: {  	v2 =	vsub.f32 v2, v3;
	v1 =	vtrunc.f32 v1  }
0x197: {  	v1 =	vcvt.f32.s32 v1  }
0x198: {  	[tilespmem:s18+$0x20] =	vst v2  }
0x199: {  	vm0 =	vlt.s32 v1, $0x1869F  }
0x19a: {  	v1 =	vnsel vm0, $0x1869F, v1  }
0x19b: {  	[tilespmem:s20+$0x20] =	vst v1  }
0x19c: {  	v1 =	vld [tilespmem:s17+$0x30]  }
0x19d: {  	v2 =	vld [tilespmem:s10+$0x30]  }
0x19e: {  	v3 =	vld [tilespmem:s11+$0x30]  }
.Ltmp4:
0x19f: {  	(pc) =	sbr.rel @p0 .LBB2_7-.Ltmp4, $3  }
0x1a0: {  	_ = 	snop  }
0x1a1: {  	v4 =	vmul.f32 $1.000000000e+05, v1;
	_ =	sdelay $0x1  }
0x1a2: {  	s18 =	sadd.s32 $0x80, s18;
	s20 =	sadd.s32 $0x80, s20;
	s17 =	sadd.s32 $0x80, s17;
	v1 =	vsub.f32 v2, v3;
	v2 =	vtrunc.f32 v4  }
0x1a3: {  	v2 =	vcvt.f32.s32 v2  }
.Ltmp5:
0x1a4: {  	_ = 	snop;
	(pc) =	sbr.rel @p1 .LBB2_10-.Ltmp5, $4  }
0x1a5: {  	vm0 =	vlt.s32 v2, $0x1869F  }
0x1a6: {  	[tilespmem:s12+$0x30] =	vst v1;
	v2 =	vnsel vm0, $0x1869F, v2  }
0x1a7: {  	[tilespmem:s13+$0x30] =	vst v2  }
0x1a8: {  	[spmem:s5] =	stream.indirect.scatter.add.f32 [tilespmem:s1], [sflag:$0x4], $0x1, s4, s28, $0xb8;
	[tilespmem:$0x170F0] =	vst v63  }
0x1a9: {  	s9 =	sadd.s32 s9, s15  }
0x1aa: {  	s9 =	sshrl.u32 s9, $0x3  }
0x1ab: {  	s10 =	sadd.s32 s0, s9  }
0x1ac: {  	[tilespmem:s23], [sflag:$0x2] =	stream.linear.gather [hbm4b:s10+s6], $0x2000, $0x38;
	[tilespmem:$0x170F0] =	vst v63  }
.Ltmp6:
0x1ad: {  	_ = 	snop;
	(pc) =	sbr.rel .LBB2_4-.Ltmp6, $4  }
0x1ae: {  	s20 =	sadd.s32 s2, s9  }
0x1af: {  	[tilespmem:s24], [sflag:$0x2] =	stream.linear.gather [hbm4b:s20+s6], $0x2000, $0x38;
	[tilespmem:$0x170F0] =	vst v63  }
0x1b0: {  	s8 =	sadd.s32 $0x1, s8;
	s9 =	sadd.s32 s3, s9  }
0x1b1: {  	[tilespmem:s25], [sflag:$0x2] =	stream.linear.gather [hbm4b:s9+s6], $0x2000, $0x38;
	[tilespmem:$0x170F0] =	vst v63  }
.LBB2_11:
0x1b2: {  	_ =	sfence.sel $0x180000  }
0x1b3: {  	[bflag:$0x0] =	sbarrier.arrive $0xFFFF  }
0x1b4: {  	_ =	strace $0x90000047  }
0x1b5: {  	s0 =	stileid.u32;
	[bflag:$0x2] =	sbarrier.arrive $0xFFFF  }
0x1b6: {  	p0 =	sne.s32 s0, $0x0;
	s0 =	rddreg [dreg:$0x5]  }
0x1b7: {  	s0 =	sadd.s32 @!p0 $0x100000, s0  }
0x1b8: {  	[sflag:s0] =	ssyncadd.tile.s32 @!p0 $0x1;
	_ =	shalt  }
.Lfunc_end2:
_tile_overlayer_lowered:
.L_overlay_start_2:
0x1b9: {  	(tag) =	ssettag $0x2  }
0x1ba: {  	s0 =	rddreg [dreg:$0x0];
	s2 =	stileid.u32  }
0x1bb: {  	s1 =	rddreg [dreg:$0x1];
	p0 =	sne.s32 s2, $0x0  }
0x1bc: {  	s3 =	rddreg [dreg:$0x2];
	[bflag:$0x3] =	sbarrier.arrive $0xFFFF;
	s2 =	simm.s32 @!p0 $0x1C05  }
0x1bd: {  	[timem:s3], [sflag:s2] =	dma.local @!p0 [hbm:s0], s1  }
0x1be: {  	s0 =	simm.s32 @!p0 $0x5  }
0x1bf: {  	_ =	swait.ge @!p0 [sflag:s0], s1  }
0x1c0: {  	s1 =	ssub.s32 @!p0 $0x0, s1;
	[sflag:s0] =	ssyncset.done @!p0 $0x0  }
0x1c1: {  	[sflag:s0] =	ssyncadd.s32 @!p0 s1  }
0x1c2: {  	[bflag:$0x3] =	sbarrier.arrive $0xFFFF  }
0x1c3: {  	_ =	shalt  }

</sc_bundles>
